<compile_context>
chip_gen: v7x
topology: tpu7x:2x2x1
jax: 0.10.2.dev20260603
libtpu: 0.0.44.dev20260713+nightly
codegen_flags: <defaults>
</compile_context>

<pallas_src>
import functools

import jax
import jax.numpy as jnp
from jax import lax
from jax.experimental import pallas as pl
from jax.experimental.pallas import tpu as pltpu
from jax.experimental.pallas import tpu_sc as plsc

N_NODES = 10000
N_EDGES = 160000
D = 256
HALF = 128
L = 3
N_GRAPHS = 64
PH = 256
BN_EPS = 1e-5

NC = 2
NS = 16
EDGES_PER_SUB = N_EDGES // NS
CH = 80
NITER = EDGES_PER_SUB // CH
ROWS_A = 624
ROWS_LAST = N_NODES - (NS - 1) * ROWS_A

BLK = 1000
GRID = N_NODES // BLK


def _sc_agg_body(hcat, srcx, dst, zeros, agg,
                 sidx0, sidx1, didx0, didx1, rows0, rows1, acc, sg0, sg1):
    c = lax.axis_index("c")
    s = lax.axis_index("s")
    sidx = (sidx0, sidx1)
    didx = (didx0, didx1)
    rows = (rows0, rows1)
    sg = (sg0, sg1)

    @pl.when(s < NS - 1)
    def _():
        pltpu.sync_copy(zeros.at[pl.ds(s * ROWS_A, ROWS_A)],
                        acc.at[pl.ds(s * ROWS_A, ROWS_A)])

    @pl.when(s == NS - 1)
    def _():
        pltpu.sync_copy(zeros.at[pl.ds((NS - 1) * ROWS_A, ROWS_LAST)],
                        acc.at[pl.ds((NS - 1) * ROWS_A, ROWS_LAST)])

    plsc.subcore_barrier()

    ebase = c * N_EDGES + s * EDGES_PER_SUB
    dbase = s * EDGES_PER_SUB

    def load_idx(b, i):
        pltpu.sync_copy(srcx.at[pl.ds(ebase + i * CH, CH)], sidx[b])
        pltpu.sync_copy(dst.at[pl.ds(dbase + i * CH, CH)], didx[b])

    def start_gather(b):
        pltpu.async_copy(hcat.at[sidx[b]], rows[b], sg[b])

    def wait_gather(b):
        pltpu.make_async_copy(hcat.at[sidx[b]], rows[b], sg[b]).wait()

    def scatter(b):
        pltpu.sync_copy(rows[b], acc.at[didx[b]], add=True)

    load_idx(0, 0)
    start_gather(0)

    def pair(j, _):
        for b in range(2):
            i = 2 * j + b
            load_idx(1 - b, i + 1)
            start_gather(1 - b)

            wait_gather(b)
            scatter(b)
        return ()

    lax.fori_loop(0, (NITER - 1) // 2, pair, (), unroll=False)
    wait_gather(0)
    scatter(0)
    plsc.subcore_barrier()

    @pl.when(s < NS - 1)
    def _():
        pltpu.sync_copy(acc.at[pl.ds(s * ROWS_A, ROWS_A)],
                        agg.at[pl.ds(c * N_NODES + s * ROWS_A, ROWS_A)])

    @pl.when(s == NS - 1)
    def _():
        pltpu.sync_copy(
            acc.at[pl.ds((NS - 1) * ROWS_A, ROWS_LAST)],
            agg.at[pl.ds(c * N_NODES + (NS - 1) * ROWS_A, ROWS_LAST)])


@functools.cache
def _sc_agg():
    return pl.kernel(
        _sc_agg_body,
        out_type=jax.ShapeDtypeStruct((2 * N_NODES, HALF), jnp.float32),
        mesh=plsc.VectorSubcoreMesh(core_axis_name="c", subcore_axis_name="s",
                                    num_cores=NC, num_subcores=NS),
        scratch_types=[
            pltpu.VMEM((CH,), jnp.int32),
            pltpu.VMEM((CH,), jnp.int32),
            pltpu.VMEM((CH,), jnp.int32),
            pltpu.VMEM((CH,), jnp.int32),
            pltpu.VMEM((CH, HALF), jnp.float32),
            pltpu.VMEM((CH, HALF), jnp.float32),
            pltpu.VMEM_SHARED((N_NODES, HALF), jnp.float32),
            pltpu.SemaphoreType.DMA,
            pltpu.SemaphoreType.DMA,
        ],
    )


def _k1_body(eps_ref, hcat_ref, agg_ref, w_ref, b_ref, y_ref, st_ref):
    i = pl.program_id(0)

    @pl.when(i == 0)
    def _():
        st_ref[...] = jnp.zeros_like(st_ref)

    scale = 1.0 + eps_ref[0, 0]
    z = jnp.concatenate(
        [scale * hcat_ref[q] + agg_ref[q] for q in range(2)], axis=1)
    y = jnp.dot(z, w_ref[...], preferred_element_type=jnp.float32) + b_ref[...]
    y_ref[...] = y
    st_ref[...] += jnp.stack([jnp.sum(y, axis=0), jnp.sum(y * y, axis=0)])


def _bn_from_stats(st):
    m = st[0:1, :] / N_NODES
    v = st[1:2, :] / N_NODES - m * m
    return m, lax.rsqrt(v + BN_EPS)


def _k2_body(y_ref, st_ref, g_ref, be_ref, w_ref, b_ref, y2_ref, st2_ref):
    i = pl.program_id(0)

    @pl.when(i == 0)
    def _():
        st2_ref[...] = jnp.zeros_like(st2_ref)

    m, r = _bn_from_stats(st_ref[...])
    yn = jnp.maximum((y_ref[...] - m) * r * g_ref[...] + be_ref[...], 0.0)
    y2 = jnp.dot(yn, w_ref[...], preferred_element_type=jnp.float32) + b_ref[...]
    y2_ref[...] = y2
    st2_ref[...] += jnp.stack([jnp.sum(y2, axis=0), jnp.sum(y2 * y2, axis=0)])


def _k3_body(y_ref, st_ref, g_ref, be_ref, batch_ref, out_ref, pool_ref):
    i = pl.program_id(0)

    @pl.when(i == 0)
    def _():
        pool_ref[...] = jnp.zeros_like(pool_ref)

    m, r = _bn_from_stats(st_ref[...])
    h = jnp.maximum((y_ref[...] - m) * r * g_ref[...] + be_ref[...], 0.0)
    for q in range(2):
        out_ref[q] = h[:, HALF * q:HALF * (q + 1)]
    gids = lax.broadcasted_iota(jnp.int32, (BLK, N_GRAPHS), 1)
    mask = (batch_ref[...] == gids).astype(jnp.float32)
    pool_ref[...] += lax.dot_general(
        mask, h, (((0,), (0,)), ((), ())), preferred_element_type=jnp.float32,
        precision=lax.Precision.HIGHEST)


def _kfin_body(p1_ref, p2_ref, p3_ref, wd1_ref, bd1_ref, wd2_ref, bd2_ref,
               out_ref):
    cat = jnp.concatenate([p1_ref[...], p2_ref[...], p3_ref[...]], axis=1)
    t = jnp.maximum(
        jnp.dot(cat, wd1_ref[...], preferred_element_type=jnp.float32)
        + bd1_ref[...], 0.0)
    out_ref[...] = (jnp.dot(t, wd2_ref[...], preferred_element_type=jnp.float32)
                    + bd2_ref[0, 0])


_row_blk = pl.BlockSpec((BLK, D), lambda i: (i, 0))
_half_blk = pl.BlockSpec((2, BLK, HALF), lambda i: (0, i, 0))
_full_st = pl.BlockSpec((2, D), lambda i: (0, 0))
_full_vec = pl.BlockSpec((1, D), lambda i: (0, 0))
_full_w = pl.BlockSpec((D, D), lambda i: (0, 0))

_k1 = pl.pallas_call(
    _k1_body,
    grid=(GRID,),
    in_specs=[
        pl.BlockSpec(memory_space=pltpu.SMEM),
        _half_blk, _half_blk, _full_w, _full_vec,
    ],
    out_specs=[_row_blk, _full_st],
    out_shape=[
        jax.ShapeDtypeStruct((N_NODES, D), jnp.float32),
        jax.ShapeDtypeStruct((2, D), jnp.float32),
    ],
)

_k2 = pl.pallas_call(
    _k2_body,
    grid=(GRID,),
    in_specs=[_row_blk, _full_st, _full_vec, _full_vec, _full_w, _full_vec],
    out_specs=[_row_blk, _full_st],
    out_shape=[
        jax.ShapeDtypeStruct((N_NODES, D), jnp.float32),
        jax.ShapeDtypeStruct((2, D), jnp.float32),
    ],
)

_k3 = pl.pallas_call(
    _k3_body,
    grid=(GRID,),
    in_specs=[
        _row_blk, _full_st, _full_vec, _full_vec,
        pl.BlockSpec((BLK, 1), lambda i: (i, 0)),
    ],
    out_specs=[_half_blk, pl.BlockSpec((N_GRAPHS, D), lambda i: (0, 0))],
    out_shape=[
        jax.ShapeDtypeStruct((2, N_NODES, HALF), jnp.float32),
        jax.ShapeDtypeStruct((N_GRAPHS, D), jnp.float32),
    ],
)

_kfin = pl.pallas_call(
    _kfin_body,
    in_specs=[
        pl.BlockSpec((N_GRAPHS, D), lambda: (0, 0)),
        pl.BlockSpec((N_GRAPHS, D), lambda: (0, 0)),
        pl.BlockSpec((N_GRAPHS, D), lambda: (0, 0)),
        pl.BlockSpec((L * D, PH), lambda: (0, 0)),
        pl.BlockSpec((1, PH), lambda: (0, 0)),
        pl.BlockSpec((PH, 1), lambda: (0, 0)),
        pl.BlockSpec(memory_space=pltpu.SMEM),
    ],
    out_specs=pl.BlockSpec((N_GRAPHS, 1), lambda: (0, 0)),
    out_shape=jax.ShapeDtypeStruct((N_GRAPHS, 1), jnp.float32),
)


def kernel(x, edge_index, batch, eps, W1, b1, g1, be1, W2, b2, g2, be2,
           Wd1, bd1, Wd2, bd2):
    src = edge_index[0]
    dst = edge_index[1]
    srcx = jnp.concatenate([src, src + N_NODES])
    zeros = jnp.zeros((N_NODES, HALF), jnp.float32)
    batch2 = batch.reshape(N_NODES, 1)

    hcat = jnp.concatenate([x[:, :HALF], x[:, HALF:]], axis=0)

    pools = []
    for l in range(L):
        agg = _sc_agg()(hcat, srcx, dst, zeros)
        eps_l = eps[l].reshape(1, 1)
        h3 = hcat.reshape(2, N_NODES, HALF)
        a3 = agg.reshape(2, N_NODES, HALF)
        y1, st1 = _k1(eps_l, h3, a3, W1[l], b1[l].reshape(1, D))
        y2, st2 = _k2(y1, st1, g1[l].reshape(1, D), be1[l].reshape(1, D),
                      W2[l], b2[l].reshape(1, D))
        hnew, pool = _k3(y2, st2, g2[l].reshape(1, D), be2[l].reshape(1, D),
                         batch2)
        pools.append(pool)
        hcat = hnew.reshape(2 * N_NODES, HALF)

    out = _kfin(pools[0], pools[1], pools[2], Wd1, bd1.reshape(1, PH),
                Wd2, bd2.reshape(1, 1))
    return out

# --- scband reference (transcript-rebuilt; emitter-appended) ---
"""Pipeline reference for scband-gin-45990509805595 (READ-ONLY COPY).

The authoritative reference and input builder live on the scoring server;
editing this copy changes nothing except your own understanding.
"""

import jax, jax.numpy as jnp
import numpy as np

N_NODES = 10000
N_EDGES = 160000
D = 256
H = 256
L = 3
N_GRAPHS = 64
PH = 256
BN_EPS = 1e-5


def _bn(h, g, b):
    m = jnp.mean(h, axis=0)
    v = jnp.var(h, axis=0)  # biased var, matches torch BatchNorm1d normalization in training mode
    return (h - m) / jnp.sqrt(v + BN_EPS) * g + b


def setup_inputs(seed: int = 0) -> dict:
    key = jax.random.key(seed)
    ks = jax.random.split(key, 16)
    x = jax.random.normal(ks[0], (N_NODES, D), dtype=jnp.float32)
    edge_index = jax.random.randint(ks[1], (2, N_EDGES), 0, N_NODES, dtype=jnp.int32)
    batch = jnp.sort(jax.random.randint(ks[2], (N_NODES,), 0, N_GRAPHS, dtype=jnp.int32))
    s1 = 1.0 / np.sqrt(D)
    s2 = 1.0 / np.sqrt(H)
    W1 = jax.random.normal(ks[3], (L, D, H), dtype=jnp.float32) * s1
    b1 = jnp.zeros((L, H), dtype=jnp.float32)
    g1 = jnp.ones((L, H), dtype=jnp.float32)
    be1 = jnp.zeros((L, H), dtype=jnp.float32)
    W2 = jax.random.normal(ks[4], (L, H, H), dtype=jnp.float32) * s2
    b2 = jnp.zeros((L, H), dtype=jnp.float32)
    g2 = jnp.ones((L, H), dtype=jnp.float32)
    be2 = jnp.zeros((L, H), dtype=jnp.float32)
    eps = jnp.zeros((L,), dtype=jnp.float32)  # train_eps=True, init 0
    Wd1 = jax.random.normal(ks[5], (H * L, PH), dtype=jnp.float32) * (1.0 / np.sqrt(H * L))
    bd1 = jnp.zeros((PH,), dtype=jnp.float32)
    Wd2 = jax.random.normal(ks[6], (PH, 1), dtype=jnp.float32) * (1.0 / np.sqrt(PH))
    bd2 = jnp.zeros((1,), dtype=jnp.float32)
    return {"x": x, "edge_index": edge_index, "batch": batch, "eps": eps,
            "W1": W1, "b1": b1, "g1": g1, "be1": be1,
            "W2": W2, "b2": b2, "g2": g2, "be2": be2,
            "Wd1": Wd1, "bd1": bd1, "Wd2": Wd2, "bd2": bd2}


def reference(x, edge_index, batch, eps, W1, b1, g1, be1, W2, b2, g2, be2, Wd1, bd1, Wd2, bd2):
    src = edge_index[0]
    dst = edge_index[1]
    h = x
    hidden_repres = []
    for l in range(L):
        # GINConv: MLP((1+eps)*x + sum_{j in N(i)} x_j), messages aggregated at dst
        agg = jnp.zeros_like(h).at[dst].add(h[src])
        h = (1.0 + eps[l]) * h + agg
        h = jnp.maximum(_bn(h @ W1[l] + b1[l], g1[l], be1[l]), 0.0)
        h = jnp.maximum(_bn(h @ W2[l] + b2[l], g2[l], be2[l]), 0.0)
        hidden_repres.append(h)
    cat = jnp.concatenate(hidden_repres, axis=1)
    pooled = jax.ops.segment_sum(cat, batch, num_segments=N_GRAPHS)  # global_add_pool
    out = jnp.maximum(pooled @ Wd1 + bd1, 0.0) @ Wd2 + bd2  # dropout p=0 -> identity
    return out

if __name__ == "__main__":
    import jax
    _d = setup_inputs()
    print(jax.jit(kernel)(*tuple(_d.values())))

</pallas_src>

<mosaic_0001>
#map = affine_map<(d0, d1) -> (0, 0)>
#map1 = affine_map<(d0, d1) -> (0)>
module attributes {stable_mosaic.version = 14 : i64} {
  func.func @_sc_agg_body(%arg0: i32, %arg1: i32, %arg2: memref<20000x128xf32, #tpu.memory_space<hbm>>, %arg3: memref<320000xi32, #tpu.memory_space<hbm>>, %arg4: memref<160000xi32, #tpu.memory_space<hbm>>, %arg5: memref<10000x128xf32, #tpu.memory_space<hbm>>, %arg6: memref<20000x128xf32, #tpu.memory_space<hbm>>, %arg7: memref<80xi32, #tpu.memory_space<vmem>>, %arg8: memref<80xi32, #tpu.memory_space<vmem>>, %arg9: memref<80xi32, #tpu.memory_space<vmem>>, %arg10: memref<80xi32, #tpu.memory_space<vmem>>, %arg11: memref<80x128xf32, #tpu.memory_space<vmem>>, %arg12: memref<80x128xf32, #tpu.memory_space<vmem>>, %arg13: memref<10000x128xf32, #tpu.memory_space<vmem_shared>>, %arg14: memref<!tpu.dma_semaphore, #tpu.memory_space<semaphore_mem>>, %arg15: memref<!tpu.dma_semaphore, #tpu.memory_space<semaphore_mem>>) attributes {dimension_semantics = [#tpu.dimension_semantics<core_parallel>, #tpu.dimension_semantics<subcore_parallel>], iteration_bounds = array<i64: 2, 16>, scalar_prefetch = 0 : i64, scratch_operands = 9 : i64, tpu.core_type = #tpu.core_type<sc_vector_subcore>, window_params = [{transform_indices = #map}, {transform_indices = #map1}, {transform_indices = #map1}, {transform_indices = #map}, {transform_indices = #map}]} {
    %lt3A = arith.constant 15 : i32
    %lt3A_0 = arith.cmpi slt, %arg1, %lt3A : i32
    %convert_element_type3A = arith.extui %lt3A_0 : i1 to i32
    %cond3A = arith.constant 0 : i32
    %cond3A_1 = arith.cmpi ne, %convert_element_type3A, %cond3A : i32
    scf.if %cond3A_1 {
      %mul3A_34 = arith.constant 624 : i32
      %mul3A_35 = arith.muli %arg1, %mul3A_34 : i32
      %mul3A_36 = arith.constant 624 : i32
      %mul3A_37 = arith.muli %arg1, %mul3A_36 : i32
      "tpu.region"() ({
        %run_scoped3A = tpu.sem_alloc : memref<!tpu.dma_semaphore, #tpu.memory_space<semaphore_mem>>
        %dma_start3A_38 = arith.constant 0 : i32
        %dma_start3A_39 = tpu.memref_slice %arg13[%mul3A_37, %dma_start3A_38] : memref<10000x128xf32, #tpu.memory_space<vmem_shared>> -> memref<624x128xf32, #tpu.memory_space<vmem_shared>>
        %dma_start3A_40 = arith.constant 0 : i32
        %dma_start3A_41 = tpu.memref_slice %arg5[%mul3A_35, %dma_start3A_40] : memref<10000x128xf32, #tpu.memory_space<hbm>> -> memref<624x128xf32, #tpu.memory_space<hbm>>
        tpu.enqueue_dma source(%dma_start3A_41 : memref<624x128xf32, #tpu.memory_space<hbm>>) target(%dma_start3A_39 : memref<624x128xf32, #tpu.memory_space<vmem_shared>>) target_semaphore(%run_scoped3A : memref<!tpu.dma_semaphore, #tpu.memory_space<semaphore_mem>>)
        %dma_wait3A_42 = arith.constant 0 : i32
        %dma_wait3A_43 = tpu.memref_slice %arg13[%mul3A_37, %dma_wait3A_42] : memref<10000x128xf32, #tpu.memory_space<vmem_shared>> -> memref<624x128xf32, #tpu.memory_space<vmem_shared>>
        %dma_wait3A_44 = arith.constant 0 : i32
        %dma_wait3A_45 = tpu.memref_slice %arg5[%mul3A_35, %dma_wait3A_44] : memref<10000x128xf32, #tpu.memory_space<hbm>> -> memref<624x128xf32, #tpu.memory_space<hbm>>
        tpu.wait_dma2 semaphore(%run_scoped3A : memref<!tpu.dma_semaphore, #tpu.memory_space<semaphore_mem>>) src(%dma_wait3A_45 : memref<624x128xf32, #tpu.memory_space<hbm>>) dst(%dma_wait3A_43 : memref<624x128xf32, #tpu.memory_space<vmem_shared>>)
        tpu.yield
      }) : () -> ()
    } else {
    }
    %eq3A = arith.constant 15 : i32
    %eq3A_2 = arith.cmpi eq, %arg1, %eq3A : i32
    %convert_element_type3A_3 = arith.extui %eq3A_2 : i1 to i32
    %cond3A_4 = arith.constant 0 : i32
    %cond3A_5 = arith.cmpi ne, %convert_element_type3A_3, %cond3A_4 : i32
    scf.if %cond3A_5 {
      "tpu.region"() ({
        %run_scoped3A = tpu.sem_alloc : memref<!tpu.dma_semaphore, #tpu.memory_space<semaphore_mem>>
        %dma_start3A_34 = arith.constant 9360 : i32
        %dma_start3A_35 = arith.constant 0 : i32
        %dma_start3A_36 = tpu.memref_slice %arg13[%dma_start3A_34, %dma_start3A_35] : memref<10000x128xf32, #tpu.memory_space<vmem_shared>> -> memref<640x128xf32, #tpu.memory_space<vmem_shared>>
        %dma_start3A_37 = arith.constant 9360 : i32
        %dma_start3A_38 = arith.constant 0 : i32
        %dma_start3A_39 = tpu.memref_slice %arg5[%dma_start3A_37, %dma_start3A_38] : memref<10000x128xf32, #tpu.memory_space<hbm>> -> memref<640x128xf32, #tpu.memory_space<hbm>>
        tpu.enqueue_dma source(%dma_start3A_39 : memref<640x128xf32, #tpu.memory_space<hbm>>) target(%dma_start3A_36 : memref<640x128xf32, #tpu.memory_space<vmem_shared>>) target_semaphore(%run_scoped3A : memref<!tpu.dma_semaphore, #tpu.memory_space<semaphore_mem>>)
        %dma_wait3A_40 = arith.constant 9360 : i32
        %dma_wait3A_41 = arith.constant 0 : i32
        %dma_wait3A_42 = tpu.memref_slice %arg13[%dma_wait3A_40, %dma_wait3A_41] : memref<10000x128xf32, #tpu.memory_space<vmem_shared>> -> memref<640x128xf32, #tpu.memory_space<vmem_shared>>
        %dma_wait3A_43 = arith.constant 9360 : i32
        %dma_wait3A_44 = arith.constant 0 : i32
        %dma_wait3A_45 = tpu.memref_slice %arg5[%dma_wait3A_43, %dma_wait3A_44] : memref<10000x128xf32, #tpu.memory_space<hbm>> -> memref<640x128xf32, #tpu.memory_space<hbm>>
        tpu.wait_dma2 semaphore(%run_scoped3A : memref<!tpu.dma_semaphore, #tpu.memory_space<semaphore_mem>>) src(%dma_wait3A_45 : memref<640x128xf32, #tpu.memory_space<hbm>>) dst(%dma_wait3A_42 : memref<640x128xf32, #tpu.memory_space<vmem_shared>>)
        tpu.yield
      }) : () -> ()
    } else {
    }
    %barrier3A = arith.constant 0 : index
    tpu.barrier barrier_id(%barrier3A)
    %mul3A = arith.constant 160000 : i32
    %mul3A_6 = arith.muli %arg0, %mul3A : i32
    %mul3A_7 = arith.constant 10000 : i32
    %mul3A_8 = arith.muli %arg1, %mul3A_7 : i32
    %add3A = arith.addi %mul3A_6, %mul3A_8 : i32
    %mul3A_9 = arith.constant 10000 : i32
    %mul3A_10 = arith.muli %arg1, %mul3A_9 : i32
    %add3A_11 = arith.constant 0 : i32
    %add3A_12 = arith.addi %add3A, %add3A_11 : i32
    "tpu.region"() ({
      %run_scoped3A = tpu.sem_alloc : memref<!tpu.dma_semaphore, #tpu.memory_space<semaphore_mem>>
      %dma_start3A_34 = tpu.memref_slice %arg3[%add3A_12] : memref<320000xi32, #tpu.memory_space<hbm>> -> memref<80xi32, #tpu.memory_space<hbm>>
      %dma_start3A_35 = tpu.memref_slice %arg3[%add3A_12] : memref<320000xi32, #tpu.memory_space<hbm>> -> memref<80xi32, #tpu.memory_space<hbm>>
      tpu.enqueue_dma source(%dma_start3A_35 : memref<80xi32, #tpu.memory_space<hbm>>) target(%arg7 : memref<80xi32, #tpu.memory_space<vmem>>) target_semaphore(%run_scoped3A : memref<!tpu.dma_semaphore, #tpu.memory_space<semaphore_mem>>)
      %dma_wait3A_36 = tpu.memref_slice %arg3[%add3A_12] : memref<320000xi32, #tpu.memory_space<hbm>> -> memref<80xi32, #tpu.memory_space<hbm>>
      %dma_wait3A_37 = tpu.memref_slice %arg3[%add3A_12] : memref<320000xi32, #tpu.memory_space<hbm>> -> memref<80xi32, #tpu.memory_space<hbm>>
      tpu.wait_dma2 semaphore(%run_scoped3A : memref<!tpu.dma_semaphore, #tpu.memory_space<semaphore_mem>>) src(%dma_wait3A_37 : memref<80xi32, #tpu.memory_space<hbm>>) dst(%arg7 : memref<80xi32, #tpu.memory_space<vmem>>)
      tpu.yield
    }) : () -> ()
    %add3A_13 = arith.constant 0 : i32
    %add3A_14 = arith.addi %mul3A_10, %add3A_13 : i32
    "tpu.region"() ({
      %run_scoped3A = tpu.sem_alloc : memref<!tpu.dma_semaphore, #tpu.memory_space<semaphore_mem>>
      %dma_start3A_34 = tpu.memref_slice %arg4[%add3A_14] : memref<160000xi32, #tpu.memory_space<hbm>> -> memref<80xi32, #tpu.memory_space<hbm>>
      %dma_start3A_35 = tpu.memref_slice %arg4[%add3A_14] : memref<160000xi32, #tpu.memory_space<hbm>> -> memref<80xi32, #tpu.memory_space<hbm>>
      tpu.enqueue_dma source(%dma_start3A_35 : memref<80xi32, #tpu.memory_space<hbm>>) target(%arg9 : memref<80xi32, #tpu.memory_space<vmem>>) target_semaphore(%run_scoped3A : memref<!tpu.dma_semaphore, #tpu.memory_space<semaphore_mem>>)
      %dma_wait3A_36 = tpu.memref_slice %arg4[%add3A_14] : memref<160000xi32, #tpu.memory_space<hbm>> -> memref<80xi32, #tpu.memory_space<hbm>>
      %dma_wait3A_37 = tpu.memref_slice %arg4[%add3A_14] : memref<160000xi32, #tpu.memory_space<hbm>> -> memref<80xi32, #tpu.memory_space<hbm>>
      tpu.wait_dma2 semaphore(%run_scoped3A : memref<!tpu.dma_semaphore, #tpu.memory_space<semaphore_mem>>) src(%dma_wait3A_37 : memref<80xi32, #tpu.memory_space<hbm>>) dst(%arg9 : memref<80xi32, #tpu.memory_space<vmem>>)
      tpu.yield
    }) : () -> ()
    %dma_start3A = arith.constant 0 : i32
    %dma_start3A_15 = arith.constant 0 : i32
    %dma_start3A_16 = tpu.memref_slice %arg2[%dma_start3A, %dma_start3A_15] : memref<20000x128xf32, #tpu.memory_space<hbm>> -> memref<20000x128xf32, #tpu.memory_space<hbm>>
    tpu.enqueue_indirect_dma source(%dma_start3A_16 : memref<20000x128xf32, #tpu.memory_space<hbm>>) target(%arg11 : memref<80x128xf32, #tpu.memory_space<vmem>>) offsets(%arg7 : memref<80xi32, #tpu.memory_space<vmem>>) semaphore(%arg14 : memref<!tpu.dma_semaphore, #tpu.memory_space<semaphore_mem>>)
    %scan3A = arith.constant 0 : i32
    %scan3A_17 = arith.constant 62 : i32
    %scan3A_18 = arith.addi %scan3A, %scan3A_17 : i32
    %scan3A_19 = arith.constant 1 : i32
    scf.for %scan3A_34 = %scan3A to %scan3A_18 step %scan3A_19  : i32 {
      %mul3A_35 = arith.constant 2 : i32
      %mul3A_36 = arith.muli %mul3A_35, %scan3A_34 : i32
      %add3A_37 = arith.constant 0 : i32
      %add3A_38 = arith.addi %mul3A_36, %add3A_37 : i32
      %add3A_39 = arith.constant 1 : i32
      %add3A_40 = arith.addi %add3A_38, %add3A_39 : i32
      %mul3A_41 = arith.constant 80 : i32
      %mul3A_42 = arith.muli %add3A_40, %mul3A_41 : i32
      %add3A_43 = arith.addi %add3A, %mul3A_42 : i32
      "tpu.region"() ({
        %run_scoped3A = tpu.sem_alloc : memref<!tpu.dma_semaphore, #tpu.memory_space<semaphore_mem>>
        %dma_start3A_71 = tpu.memref_slice %arg3[%add3A_43] : memref<320000xi32, #tpu.memory_space<hbm>> -> memref<80xi32, #tpu.memory_space<hbm>>
        %dma_start3A_72 = tpu.memref_slice %arg3[%add3A_43] : memref<320000xi32, #tpu.memory_space<hbm>> -> memref<80xi32, #tpu.memory_space<hbm>>
        tpu.enqueue_dma source(%dma_start3A_72 : memref<80xi32, #tpu.memory_space<hbm>>) target(%arg8 : memref<80xi32, #tpu.memory_space<vmem>>) target_semaphore(%run_scoped3A : memref<!tpu.dma_semaphore, #tpu.memory_space<semaphore_mem>>)
        %dma_wait3A_73 = tpu.memref_slice %arg3[%add3A_43] : memref<320000xi32, #tpu.memory_space<hbm>> -> memref<80xi32, #tpu.memory_space<hbm>>
        %dma_wait3A_74 = tpu.memref_slice %arg3[%add3A_43] : memref<320000xi32, #tpu.memory_space<hbm>> -> memref<80xi32, #tpu.memory_space<hbm>>
        tpu.wait_dma2 semaphore(%run_scoped3A : memref<!tpu.dma_semaphore, #tpu.memory_space<semaphore_mem>>) src(%dma_wait3A_74 : memref<80xi32, #tpu.memory_space<hbm>>) dst(%arg8 : memref<80xi32, #tpu.memory_space<vmem>>)
        tpu.yield
      }) : () -> ()
      %mul3A_44 = arith.constant 80 : i32
      %mul3A_45 = arith.muli %add3A_40, %mul3A_44 : i32
      %add3A_46 = arith.addi %mul3A_10, %mul3A_45 : i32
      "tpu.region"() ({
        %run_scoped3A = tpu.sem_alloc : memref<!tpu.dma_semaphore, #tpu.memory_space<semaphore_mem>>
        %dma_start3A_71 = tpu.memref_slice %arg4[%add3A_46] : memref<160000xi32, #tpu.memory_space<hbm>> -> memref<80xi32, #tpu.memory_space<hbm>>
        %dma_start3A_72 = tpu.memref_slice %arg4[%add3A_46] : memref<160000xi32, #tpu.memory_space<hbm>> -> memref<80xi32, #tpu.memory_space<hbm>>
        tpu.enqueue_dma source(%dma_start3A_72 : memref<80xi32, #tpu.memory_space<hbm>>) target(%arg10 : memref<80xi32, #tpu.memory_space<vmem>>) target_semaphore(%run_scoped3A : memref<!tpu.dma_semaphore, #tpu.memory_space<semaphore_mem>>)
        %dma_wait3A_73 = tpu.memref_slice %arg4[%add3A_46] : memref<160000xi32, #tpu.memory_space<hbm>> -> memref<80xi32, #tpu.memory_space<hbm>>
        %dma_wait3A_74 = tpu.memref_slice %arg4[%add3A_46] : memref<160000xi32, #tpu.memory_space<hbm>> -> memref<80xi32, #tpu.memory_space<hbm>>
        tpu.wait_dma2 semaphore(%run_scoped3A : memref<!tpu.dma_semaphore, #tpu.memory_space<semaphore_mem>>) src(%dma_wait3A_74 : memref<80xi32, #tpu.memory_space<hbm>>) dst(%arg10 : memref<80xi32, #tpu.memory_space<vmem>>)
        tpu.yield
      }) : () -> ()
      %dma_start3A_47 = arith.constant 0 : i32
      %dma_start3A_48 = arith.constant 0 : i32
      %dma_start3A_49 = tpu.memref_slice %arg2[%dma_start3A_47, %dma_start3A_48] : memref<20000x128xf32, #tpu.memory_space<hbm>> -> memref<20000x128xf32, #tpu.memory_space<hbm>>
      tpu.enqueue_indirect_dma source(%dma_start3A_49 : memref<20000x128xf32, #tpu.memory_space<hbm>>) target(%arg12 : memref<80x128xf32, #tpu.memory_space<vmem>>) offsets(%arg8 : memref<80xi32, #tpu.memory_space<vmem>>) semaphore(%arg15 : memref<!tpu.dma_semaphore, #tpu.memory_space<semaphore_mem>>)
      %dma_wait3A_50 = arith.constant 0 : i32
      %dma_wait3A_51 = arith.constant 0 : i32
      %dma_wait3A_52 = tpu.memref_slice %arg2[%dma_wait3A_50, %dma_wait3A_51] : memref<20000x128xf32, #tpu.memory_space<hbm>> -> memref<20000x128xf32, #tpu.memory_space<hbm>>
      tpu.wait_indirect_dma semaphore(%arg14 : memref<!tpu.dma_semaphore, #tpu.memory_space<semaphore_mem>>) src(%dma_wait3A_52 : memref<20000x128xf32, #tpu.memory_space<hbm>>) dst(%arg11 : memref<80x128xf32, #tpu.memory_space<vmem>>)
      "tpu.region"() ({
        %run_scoped3A = tpu.sem_alloc : memref<!tpu.dma_semaphore, #tpu.memory_space<semaphore_mem>>
        %dma_start3A_71 = arith.constant 0 : i32
        %dma_start3A_72 = arith.constant 0 : i32
        %dma_start3A_73 = tpu.memref_slice %arg13[%dma_start3A_71, %dma_start3A_72] : memref<10000x128xf32, #tpu.memory_space<vmem_shared>> -> memref<10000x128xf32, #tpu.memory_space<vmem_shared>>
        tpu.enqueue_indirect_dma source(%arg11 : memref<80x128xf32, #tpu.memory_space<vmem>>) target(%dma_start3A_73 : memref<10000x128xf32, #tpu.memory_space<vmem_shared>>) offsets(%arg9 : memref<80xi32, #tpu.memory_space<vmem>>) semaphore(%run_scoped3A : memref<!tpu.dma_semaphore, #tpu.memory_space<semaphore_mem>>) {add = true}
        %dma_wait3A_74 = arith.constant 0 : i32
        %dma_wait3A_75 = arith.constant 0 : i32
        %dma_wait3A_76 = tpu.memref_slice %arg13[%dma_wait3A_74, %dma_wait3A_75] : memref<10000x128xf32, #tpu.memory_space<vmem_shared>> -> memref<10000x128xf32, #tpu.memory_space<vmem_shared>>
        tpu.wait_indirect_dma semaphore(%run_scoped3A : memref<!tpu.dma_semaphore, #tpu.memory_space<semaphore_mem>>) src(%arg11 : memref<80x128xf32, #tpu.memory_space<vmem>>) dst(%dma_wait3A_76 : memref<10000x128xf32, #tpu.memory_space<vmem_shared>>)
        tpu.yield
      }) : () -> ()
      %mul3A_53 = arith.constant 2 : i32
      %mul3A_54 = arith.muli %mul3A_53, %scan3A_34 : i32
      %add3A_55 = arith.constant 1 : i32
      %add3A_56 = arith.addi %mul3A_54, %add3A_55 : i32
      %add3A_57 = arith.constant 1 : i32
      %add3A_58 = arith.addi %add3A_56, %add3A_57 : i32
      %mul3A_59 = arith.constant 80 : i32
      %mul3A_60 = arith.muli %add3A_58, %mul3A_59 : i32
      %add3A_61 = arith.addi %add3A, %mul3A_60 : i32
      "tpu.region"() ({
        %run_scoped3A = tpu.sem_alloc : memref<!tpu.dma_semaphore, #tpu.memory_space<semaphore_mem>>
        %dma_start3A_71 = tpu.memref_slice %arg3[%add3A_61] : memref<320000xi32, #tpu.memory_space<hbm>> -> memref<80xi32, #tpu.memory_space<hbm>>
        %dma_start3A_72 = tpu.memref_slice %arg3[%add3A_61] : memref<320000xi32, #tpu.memory_space<hbm>> -> memref<80xi32, #tpu.memory_space<hbm>>
        tpu.enqueue_dma source(%dma_start3A_72 : memref<80xi32, #tpu.memory_space<hbm>>) target(%arg7 : memref<80xi32, #tpu.memory_space<vmem>>) target_semaphore(%run_scoped3A : memref<!tpu.dma_semaphore, #tpu.memory_space<semaphore_mem>>)
        %dma_wait3A_73 = tpu.memref_slice %arg3[%add3A_61] : memref<320000xi32, #tpu.memory_space<hbm>> -> memref<80xi32, #tpu.memory_space<hbm>>
        %dma_wait3A_74 = tpu.memref_slice %arg3[%add3A_61] : memref<320000xi32, #tpu.memory_space<hbm>> -> memref<80xi32, #tpu.memory_space<hbm>>
        tpu.wait_dma2 semaphore(%run_scoped3A : memref<!tpu.dma_semaphore, #tpu.memory_space<semaphore_mem>>) src(%dma_wait3A_74 : memref<80xi32, #tpu.memory_space<hbm>>) dst(%arg7 : memref<80xi32, #tpu.memory_space<vmem>>)
        tpu.yield
      }) : () -> ()
      %mul3A_62 = arith.constant 80 : i32
      %mul3A_63 = arith.muli %add3A_58, %mul3A_62 : i32
      %add3A_64 = arith.addi %mul3A_10, %mul3A_63 : i32
      "tpu.region"() ({
        %run_scoped3A = tpu.sem_alloc : memref<!tpu.dma_semaphore, #tpu.memory_space<semaphore_mem>>
        %dma_start3A_71 = tpu.memref_slice %arg4[%add3A_64] : memref<160000xi32, #tpu.memory_space<hbm>> -> memref<80xi32, #tpu.memory_space<hbm>>
        %dma_start3A_72 = tpu.memref_slice %arg4[%add3A_64] : memref<160000xi32, #tpu.memory_space<hbm>> -> memref<80xi32, #tpu.memory_space<hbm>>
        tpu.enqueue_dma source(%dma_start3A_72 : memref<80xi32, #tpu.memory_space<hbm>>) target(%arg9 : memref<80xi32, #tpu.memory_space<vmem>>) target_semaphore(%run_scoped3A : memref<!tpu.dma_semaphore, #tpu.memory_space<semaphore_mem>>)
        %dma_wait3A_73 = tpu.memref_slice %arg4[%add3A_64] : memref<160000xi32, #tpu.memory_space<hbm>> -> memref<80xi32, #tpu.memory_space<hbm>>
        %dma_wait3A_74 = tpu.memref_slice %arg4[%add3A_64] : memref<160000xi32, #tpu.memory_space<hbm>> -> memref<80xi32, #tpu.memory_space<hbm>>
        tpu.wait_dma2 semaphore(%run_scoped3A : memref<!tpu.dma_semaphore, #tpu.memory_space<semaphore_mem>>) src(%dma_wait3A_74 : memref<80xi32, #tpu.memory_space<hbm>>) dst(%arg9 : memref<80xi32, #tpu.memory_space<vmem>>)
        tpu.yield
      }) : () -> ()
      %dma_start3A_65 = arith.constant 0 : i32
      %dma_start3A_66 = arith.constant 0 : i32
      %dma_start3A_67 = tpu.memref_slice %arg2[%dma_start3A_65, %dma_start3A_66] : memref<20000x128xf32, #tpu.memory_space<hbm>> -> memref<20000x128xf32, #tpu.memory_space<hbm>>
      tpu.enqueue_indirect_dma source(%dma_start3A_67 : memref<20000x128xf32, #tpu.memory_space<hbm>>) target(%arg11 : memref<80x128xf32, #tpu.memory_space<vmem>>) offsets(%arg7 : memref<80xi32, #tpu.memory_space<vmem>>) semaphore(%arg14 : memref<!tpu.dma_semaphore, #tpu.memory_space<semaphore_mem>>)
      %dma_wait3A_68 = arith.constant 0 : i32
      %dma_wait3A_69 = arith.constant 0 : i32
      %dma_wait3A_70 = tpu.memref_slice %arg2[%dma_wait3A_68, %dma_wait3A_69] : memref<20000x128xf32, #tpu.memory_space<hbm>> -> memref<20000x128xf32, #tpu.memory_space<hbm>>
      tpu.wait_indirect_dma semaphore(%arg15 : memref<!tpu.dma_semaphore, #tpu.memory_space<semaphore_mem>>) src(%dma_wait3A_70 : memref<20000x128xf32, #tpu.memory_space<hbm>>) dst(%arg12 : memref<80x128xf32, #tpu.memory_space<vmem>>)
      "tpu.region"() ({
        %run_scoped3A = tpu.sem_alloc : memref<!tpu.dma_semaphore, #tpu.memory_space<semaphore_mem>>
        %dma_start3A_71 = arith.constant 0 : i32
        %dma_start3A_72 = arith.constant 0 : i32
        %dma_start3A_73 = tpu.memref_slice %arg13[%dma_start3A_71, %dma_start3A_72] : memref<10000x128xf32, #tpu.memory_space<vmem_shared>> -> memref<10000x128xf32, #tpu.memory_space<vmem_shared>>
        tpu.enqueue_indirect_dma source(%arg12 : memref<80x128xf32, #tpu.memory_space<vmem>>) target(%dma_start3A_73 : memref<10000x128xf32, #tpu.memory_space<vmem_shared>>) offsets(%arg10 : memref<80xi32, #tpu.memory_space<vmem>>) semaphore(%run_scoped3A : memref<!tpu.dma_semaphore, #tpu.memory_space<semaphore_mem>>) {add = true}
        %dma_wait3A_74 = arith.constant 0 : i32
        %dma_wait3A_75 = arith.constant 0 : i32
        %dma_wait3A_76 = tpu.memref_slice %arg13[%dma_wait3A_74, %dma_wait3A_75] : memref<10000x128xf32, #tpu.memory_space<vmem_shared>> -> memref<10000x128xf32, #tpu.memory_space<vmem_shared>>
        tpu.wait_indirect_dma semaphore(%run_scoped3A : memref<!tpu.dma_semaphore, #tpu.memory_space<semaphore_mem>>) src(%arg12 : memref<80x128xf32, #tpu.memory_space<vmem>>) dst(%dma_wait3A_76 : memref<10000x128xf32, #tpu.memory_space<vmem_shared>>)
        tpu.yield
      }) : () -> ()
    }
    %scan3A_20 = arith.constant 62 : i32
    %dma_wait3A = arith.constant 0 : i32
    %dma_wait3A_21 = arith.constant 0 : i32
    %dma_wait3A_22 = tpu.memref_slice %arg2[%dma_wait3A, %dma_wait3A_21] : memref<20000x128xf32, #tpu.memory_space<hbm>> -> memref<20000x128xf32, #tpu.memory_space<hbm>>
    tpu.wait_indirect_dma semaphore(%arg14 : memref<!tpu.dma_semaphore, #tpu.memory_space<semaphore_mem>>) src(%dma_wait3A_22 : memref<20000x128xf32, #tpu.memory_space<hbm>>) dst(%arg11 : memref<80x128xf32, #tpu.memory_space<vmem>>)
    "tpu.region"() ({
      %run_scoped3A = tpu.sem_alloc : memref<!tpu.dma_semaphore, #tpu.memory_space<semaphore_mem>>
      %dma_start3A_34 = arith.constant 0 : i32
      %dma_start3A_35 = arith.constant 0 : i32
      %dma_start3A_36 = tpu.memref_slice %arg13[%dma_start3A_34, %dma_start3A_35] : memref<10000x128xf32, #tpu.memory_space<vmem_shared>> -> memref<10000x128xf32, #tpu.memory_space<vmem_shared>>
      tpu.enqueue_indirect_dma source(%arg11 : memref<80x128xf32, #tpu.memory_space<vmem>>) target(%dma_start3A_36 : memref<10000x128xf32, #tpu.memory_space<vmem_shared>>) offsets(%arg9 : memref<80xi32, #tpu.memory_space<vmem>>) semaphore(%run_scoped3A : memref<!tpu.dma_semaphore, #tpu.memory_space<semaphore_mem>>) {add = true}
      %dma_wait3A_37 = arith.constant 0 : i32
      %dma_wait3A_38 = arith.constant 0 : i32
      %dma_wait3A_39 = tpu.memref_slice %arg13[%dma_wait3A_37, %dma_wait3A_38] : memref<10000x128xf32, #tpu.memory_space<vmem_shared>> -> memref<10000x128xf32, #tpu.memory_space<vmem_shared>>
      tpu.wait_indirect_dma semaphore(%run_scoped3A : memref<!tpu.dma_semaphore, #tpu.memory_space<semaphore_mem>>) src(%arg11 : memref<80x128xf32, #tpu.memory_space<vmem>>) dst(%dma_wait3A_39 : memref<10000x128xf32, #tpu.memory_space<vmem_shared>>)
      tpu.yield
    }) : () -> ()
    %barrier3A_23 = arith.constant 0 : index
    tpu.barrier barrier_id(%barrier3A_23)
    %lt3A_24 = arith.constant 15 : i32
    %lt3A_25 = arith.cmpi slt, %arg1, %lt3A_24 : i32
    %convert_element_type3A_26 = arith.extui %lt3A_25 : i1 to i32
    %cond3A_27 = arith.constant 0 : i32
    %cond3A_28 = arith.cmpi ne, %convert_element_type3A_26, %cond3A_27 : i32
    scf.if %cond3A_28 {
      %mul3A_34 = arith.constant 624 : i32
      %mul3A_35 = arith.muli %arg1, %mul3A_34 : i32
      %mul3A_36 = arith.constant 10000 : i32
      %mul3A_37 = arith.muli %arg0, %mul3A_36 : i32
      %mul3A_38 = arith.constant 624 : i32
      %mul3A_39 = arith.muli %arg1, %mul3A_38 : i32
      %add3A_40 = arith.addi %mul3A_37, %mul3A_39 : i32
      "tpu.region"() ({
        %run_scoped3A = tpu.sem_alloc : memref<!tpu.dma_semaphore, #tpu.memory_space<semaphore_mem>>
        %dma_start3A_41 = arith.constant 0 : i32
        %dma_start3A_42 = tpu.memref_slice %arg6[%add3A_40, %dma_start3A_41] : memref<20000x128xf32, #tpu.memory_space<hbm>> -> memref<624x128xf32, #tpu.memory_space<hbm>>
        %dma_start3A_43 = arith.constant 0 : i32
        %dma_start3A_44 = tpu.memref_slice %arg13[%mul3A_35, %dma_start3A_43] : memref<10000x128xf32, #tpu.memory_space<vmem_shared>> -> memref<624x128xf32, #tpu.memory_space<vmem_shared>>
        tpu.enqueue_dma source(%dma_start3A_44 : memref<624x128xf32, #tpu.memory_space<vmem_shared>>) target(%dma_start3A_42 : memref<624x128xf32, #tpu.memory_space<hbm>>) target_semaphore(%run_scoped3A : memref<!tpu.dma_semaphore, #tpu.memory_space<semaphore_mem>>)
        %dma_wait3A_45 = arith.constant 0 : i32
        %dma_wait3A_46 = tpu.memref_slice %arg6[%add3A_40, %dma_wait3A_45] : memref<20000x128xf32, #tpu.memory_space<hbm>> -> memref<624x128xf32, #tpu.memory_space<hbm>>
        %dma_wait3A_47 = arith.constant 0 : i32
        %dma_wait3A_48 = tpu.memref_slice %arg13[%mul3A_35, %dma_wait3A_47] : memref<10000x128xf32, #tpu.memory_space<vmem_shared>> -> memref<624x128xf32, #tpu.memory_space<vmem_shared>>
        tpu.wait_dma2 semaphore(%run_scoped3A : memref<!tpu.dma_semaphore, #tpu.memory_space<semaphore_mem>>) src(%dma_wait3A_48 : memref<624x128xf32, #tpu.memory_space<vmem_shared>>) dst(%dma_wait3A_46 : memref<624x128xf32, #tpu.memory_space<hbm>>)
        tpu.yield
      }) : () -> ()
    } else {
    }
    %eq3A_29 = arith.constant 15 : i32
    %eq3A_30 = arith.cmpi eq, %arg1, %eq3A_29 : i32
    %convert_element_type3A_31 = arith.extui %eq3A_30 : i1 to i32
    %cond3A_32 = arith.constant 0 : i32
    %cond3A_33 = arith.cmpi ne, %convert_element_type3A_31, %cond3A_32 : i32
    scf.if %cond3A_33 {
      %mul3A_34 = arith.constant 10000 : i32
      %mul3A_35 = arith.muli %arg0, %mul3A_34 : i32
      %add3A_36 = arith.constant 9360 : i32
      %add3A_37 = arith.addi %mul3A_35, %add3A_36 : i32
      "tpu.region"() ({
        %run_scoped3A = tpu.sem_alloc : memref<!tpu.dma_semaphore, #tpu.memory_space<semaphore_mem>>
        %dma_start3A_38 = arith.constant 0 : i32
        %dma_start3A_39 = tpu.memref_slice %arg6[%add3A_37, %dma_start3A_38] : memref<20000x128xf32, #tpu.memory_space<hbm>> -> memref<640x128xf32, #tpu.memory_space<hbm>>
        %dma_start3A_40 = arith.constant 9360 : i32
        %dma_start3A_41 = arith.constant 0 : i32
        %dma_start3A_42 = tpu.memref_slice %arg13[%dma_start3A_40, %dma_start3A_41] : memref<10000x128xf32, #tpu.memory_space<vmem_shared>> -> memref<640x128xf32, #tpu.memory_space<vmem_shared>>
        tpu.enqueue_dma source(%dma_start3A_42 : memref<640x128xf32, #tpu.memory_space<vmem_shared>>) target(%dma_start3A_39 : memref<640x128xf32, #tpu.memory_space<hbm>>) target_semaphore(%run_scoped3A : memref<!tpu.dma_semaphore, #tpu.memory_space<semaphore_mem>>)
        %dma_wait3A_43 = arith.constant 0 : i32
        %dma_wait3A_44 = tpu.memref_slice %arg6[%add3A_37, %dma_wait3A_43] : memref<20000x128xf32, #tpu.memory_space<hbm>> -> memref<640x128xf32, #tpu.memory_space<hbm>>
        %dma_wait3A_45 = arith.constant 9360 : i32
        %dma_wait3A_46 = arith.constant 0 : i32
        %dma_wait3A_47 = tpu.memref_slice %arg13[%dma_wait3A_45, %dma_wait3A_46] : memref<10000x128xf32, #tpu.memory_space<vmem_shared>> -> memref<640x128xf32, #tpu.memory_space<vmem_shared>>
        tpu.wait_dma2 semaphore(%run_scoped3A : memref<!tpu.dma_semaphore, #tpu.memory_space<semaphore_mem>>) src(%dma_wait3A_47 : memref<640x128xf32, #tpu.memory_space<vmem_shared>>) dst(%dma_wait3A_44 : memref<640x128xf32, #tpu.memory_space<hbm>>)
        tpu.yield
      }) : () -> ()
    } else {
    }
    return
  }
}

#map = affine_map<(d0, d1) -> (0, 0)>
#map1 = affine_map<(d0, d1) -> (0)>
module attributes {stable_mosaic.version = 14 : i64} {
  func.func @_sc_agg_body(%arg0: i32, %arg1: i32, %arg2: memref<20000x128xf32, #tpu.memory_space<hbm>>, %arg3: memref<320000xi32, #tpu.memory_space<hbm>>, %arg4: memref<160000xi32, #tpu.memory_space<hbm>>, %arg5: memref<10000x128xf32, #tpu.memory_space<hbm>>, %arg6: memref<20000x128xf32, #tpu.memory_space<hbm>>, %arg7: memref<80xi32, #tpu.memory_space<vmem>>, %arg8: memref<80xi32, #tpu.memory_space<vmem>>, %arg9: memref<80xi32, #tpu.memory_space<vmem>>, %arg10: memref<80xi32, #tpu.memory_space<vmem>>, %arg11: memref<80x128xf32, #tpu.memory_space<vmem>>, %arg12: memref<80x128xf32, #tpu.memory_space<vmem>>, %arg13: memref<10000x128xf32, #tpu.memory_space<vmem_shared>>, %arg14: memref<!tpu.dma_semaphore, #tpu.memory_space<semaphore_mem>>, %arg15: memref<!tpu.dma_semaphore, #tpu.memory_space<semaphore_mem>>) attributes {dimension_semantics = [#tpu.dimension_semantics<core_parallel>, #tpu.dimension_semantics<subcore_parallel>], iteration_bounds = array<i64: 2, 16>, scalar_prefetch = 0 : i64, scratch_operands = 9 : i64, tpu.core_type = #tpu.core_type<sc_vector_subcore>, window_params = [{transform_indices = #map}, {transform_indices = #map1}, {transform_indices = #map1}, {transform_indices = #map}, {transform_indices = #map}]} {
    %lt3A = arith.constant 15 : i32
    %lt3A_0 = arith.cmpi slt, %arg1, %lt3A : i32
    %convert_element_type3A = arith.extui %lt3A_0 : i1 to i32
    %cond3A = arith.constant 0 : i32
    %cond3A_1 = arith.cmpi ne, %convert_element_type3A, %cond3A : i32
    scf.if %cond3A_1 {
      %mul3A_34 = arith.constant 624 : i32
      %mul3A_35 = arith.muli %arg1, %mul3A_34 : i32
      %mul3A_36 = arith.constant 624 : i32
      %mul3A_37 = arith.muli %arg1, %mul3A_36 : i32
      "tpu.region"() ({
        %run_scoped3A = tpu.sem_alloc : memref<!tpu.dma_semaphore, #tpu.memory_space<semaphore_mem>>
        %dma_start3A_38 = arith.constant 0 : i32
        %dma_start3A_39 = tpu.memref_slice %arg13[%mul3A_37, %dma_start3A_38] : memref<10000x128xf32, #tpu.memory_space<vmem_shared>> -> memref<624x128xf32, #tpu.memory_space<vmem_shared>>
        %dma_start3A_40 = arith.constant 0 : i32
        %dma_start3A_41 = tpu.memref_slice %arg5[%mul3A_35, %dma_start3A_40] : memref<10000x128xf32, #tpu.memory_space<hbm>> -> memref<624x128xf32, #tpu.memory_space<hbm>>
        tpu.enqueue_dma source(%dma_start3A_41 : memref<624x128xf32, #tpu.memory_space<hbm>>) target(%dma_start3A_39 : memref<624x128xf32, #tpu.memory_space<vmem_shared>>) target_semaphore(%run_scoped3A : memref<!tpu.dma_semaphore, #tpu.memory_space<semaphore_mem>>)
        %dma_wait3A_42 = arith.constant 0 : i32
        %dma_wait3A_43 = tpu.memref_slice %arg13[%mul3A_37, %dma_wait3A_42] : memref<10000x128xf32, #tpu.memory_space<vmem_shared>> -> memref<624x128xf32, #tpu.memory_space<vmem_shared>>
        %dma_wait3A_44 = arith.constant 0 : i32
        %dma_wait3A_45 = tpu.memref_slice %arg5[%mul3A_35, %dma_wait3A_44] : memref<10000x128xf32, #tpu.memory_space<hbm>> -> memref<624x128xf32, #tpu.memory_space<hbm>>
        tpu.wait_dma2 semaphore(%run_scoped3A : memref<!tpu.dma_semaphore, #tpu.memory_space<semaphore_mem>>) src(%dma_wait3A_45 : memref<624x128xf32, #tpu.memory_space<hbm>>) dst(%dma_wait3A_43 : memref<624x128xf32, #tpu.memory_space<vmem_shared>>)
        tpu.yield
      }) : () -> ()
    } else {
    }
    %eq3A = arith.constant 15 : i32
    %eq3A_2 = arith.cmpi eq, %arg1, %eq3A : i32
    %convert_element_type3A_3 = arith.extui %eq3A_2 : i1 to i32
    %cond3A_4 = arith.constant 0 : i32
    %cond3A_5 = arith.cmpi ne, %convert_element_type3A_3, %cond3A_4 : i32
    scf.if %cond3A_5 {
      "tpu.region"() ({
        %run_scoped3A = tpu.sem_alloc : memref<!tpu.dma_semaphore, #tpu.memory_space<semaphore_mem>>
        %dma_start3A_34 = arith.constant 9360 : i32
        %dma_start3A_35 = arith.constant 0 : i32
        %dma_start3A_36 = tpu.memref_slice %arg13[%dma_start3A_34, %dma_start3A_35] : memref<10000x128xf32, #tpu.memory_space<vmem_shared>> -> memref<640x128xf32, #tpu.memory_space<vmem_shared>>
        %dma_start3A_37 = arith.constant 9360 : i32
        %dma_start3A_38 = arith.constant 0 : i32
        %dma_start3A_39 = tpu.memref_slice %arg5[%dma_start3A_37, %dma_start3A_38] : memref<10000x128xf32, #tpu.memory_space<hbm>> -> memref<640x128xf32, #tpu.memory_space<hbm>>
        tpu.enqueue_dma source(%dma_start3A_39 : memref<640x128xf32, #tpu.memory_space<hbm>>) target(%dma_start3A_36 : memref<640x128xf32, #tpu.memory_space<vmem_shared>>) target_semaphore(%run_scoped3A : memref<!tpu.dma_semaphore, #tpu.memory_space<semaphore_mem>>)
        %dma_wait3A_40 = arith.constant 9360 : i32
        %dma_wait3A_41 = arith.constant 0 : i32
        %dma_wait3A_42 = tpu.memref_slice %arg13[%dma_wait3A_40, %dma_wait3A_41] : memref<10000x128xf32, #tpu.memory_space<vmem_shared>> -> memref<640x128xf32, #tpu.memory_space<vmem_shared>>
        %dma_wait3A_43 = arith.constant 9360 : i32
        %dma_wait3A_44 = arith.constant 0 : i32
        %dma_wait3A_45 = tpu.memref_slice %arg5[%dma_wait3A_43, %dma_wait3A_44] : memref<10000x128xf32, #tpu.memory_space<hbm>> -> memref<640x128xf32, #tpu.memory_space<hbm>>
        tpu.wait_dma2 semaphore(%run_scoped3A : memref<!tpu.dma_semaphore, #tpu.memory_space<semaphore_mem>>) src(%dma_wait3A_45 : memref<640x128xf32, #tpu.memory_space<hbm>>) dst(%dma_wait3A_42 : memref<640x128xf32, #tpu.memory_space<vmem_shared>>)
        tpu.yield
      }) : () -> ()
    } else {
    }
    %barrier3A = arith.constant 0 : index
    tpu.barrier barrier_id(%barrier3A)
    %mul3A = arith.constant 160000 : i32
    %mul3A_6 = arith.muli %arg0, %mul3A : i32
    %mul3A_7 = arith.constant 10000 : i32
    %mul3A_8 = arith.muli %arg1, %mul3A_7 : i32
    %add3A = arith.addi %mul3A_6, %mul3A_8 : i32
    %mul3A_9 = arith.constant 10000 : i32
    %mul3A_10 = arith.muli %arg1, %mul3A_9 : i32
    %add3A_11 = arith.constant 0 : i32
    %add3A_12 = arith.addi %add3A, %add3A_11 : i32
    "tpu.region"() ({
      %run_scoped3A = tpu.sem_alloc : memref<!tpu.dma_semaphore, #tpu.memory_space<semaphore_mem>>
      %dma_start3A_34 = tpu.memref_slice %arg3[%add3A_12] : memref<320000xi32, #tpu.memory_space<hbm>> -> memref<80xi32, #tpu.memory_space<hbm>>
      %dma_start3A_35 = tpu.memref_slice %arg3[%add3A_12] : memref<320000xi32, #tpu.memory_space<hbm>> -> memref<80xi32, #tpu.memory_space<hbm>>
      tpu.enqueue_dma source(%dma_start3A_35 : memref<80xi32, #tpu.memory_space<hbm>>) target(%arg7 : memref<80xi32, #tpu.memory_space<vmem>>) target_semaphore(%run_scoped3A : memref<!tpu.dma_semaphore, #tpu.memory_space<semaphore_mem>>)
      %dma_wait3A_36 = tpu.memref_slice %arg3[%add3A_12] : memref<320000xi32, #tpu.memory_space<hbm>> -> memref<80xi32, #tpu.memory_space<hbm>>
      %dma_wait3A_37 = tpu.memref_slice %arg3[%add3A_12] : memref<320000xi32, #tpu.memory_space<hbm>> -> memref<80xi32, #tpu.memory_space<hbm>>
      tpu.wait_dma2 semaphore(%run_scoped3A : memref<!tpu.dma_semaphore, #tpu.memory_space<semaphore_mem>>) src(%dma_wait3A_37 : memref<80xi32, #tpu.memory_space<hbm>>) dst(%arg7 : memref<80xi32, #tpu.memory_space<vmem>>)
      tpu.yield
    }) : () -> ()
    %add3A_13 = arith.constant 0 : i32
    %add3A_14 = arith.addi %mul3A_10, %add3A_13 : i32
    "tpu.region"() ({
      %run_scoped3A = tpu.sem_alloc : memref<!tpu.dma_semaphore, #tpu.memory_space<semaphore_mem>>
      %dma_start3A_34 = tpu.memref_slice %arg4[%add3A_14] : memref<160000xi32, #tpu.memory_space<hbm>> -> memref<80xi32, #tpu.memory_space<hbm>>
      %dma_start3A_35 = tpu.memref_slice %arg4[%add3A_14] : memref<160000xi32, #tpu.memory_space<hbm>> -> memref<80xi32, #tpu.memory_space<hbm>>
      tpu.enqueue_dma source(%dma_start3A_35 : memref<80xi32, #tpu.memory_space<hbm>>) target(%arg9 : memref<80xi32, #tpu.memory_space<vmem>>) target_semaphore(%run_scoped3A : memref<!tpu.dma_semaphore, #tpu.memory_space<semaphore_mem>>)
      %dma_wait3A_36 = tpu.memref_slice %arg4[%add3A_14] : memref<160000xi32, #tpu.memory_space<hbm>> -> memref<80xi32, #tpu.memory_space<hbm>>
      %dma_wait3A_37 = tpu.memref_slice %arg4[%add3A_14] : memref<160000xi32, #tpu.memory_space<hbm>> -> memref<80xi32, #tpu.memory_space<hbm>>
      tpu.wait_dma2 semaphore(%run_scoped3A : memref<!tpu.dma_semaphore, #tpu.memory_space<semaphore_mem>>) src(%dma_wait3A_37 : memref<80xi32, #tpu.memory_space<hbm>>) dst(%arg9 : memref<80xi32, #tpu.memory_space<vmem>>)
      tpu.yield
    }) : () -> ()
    %dma_start3A = arith.constant 0 : i32
    %dma_start3A_15 = arith.constant 0 : i32
    %dma_start3A_16 = tpu.memref_slice %arg2[%dma_start3A, %dma_start3A_15] : memref<20000x128xf32, #tpu.memory_space<hbm>> -> memref<20000x128xf32, #tpu.memory_space<hbm>>
    tpu.enqueue_indirect_dma source(%dma_start3A_16 : memref<20000x128xf32, #tpu.memory_space<hbm>>) target(%arg11 : memref<80x128xf32, #tpu.memory_space<vmem>>) offsets(%arg7 : memref<80xi32, #tpu.memory_space<vmem>>) semaphore(%arg14 : memref<!tpu.dma_semaphore, #tpu.memory_space<semaphore_mem>>)
    %scan3A = arith.constant 0 : i32
    %scan3A_17 = arith.constant 62 : i32
    %scan3A_18 = arith.addi %scan3A, %scan3A_17 : i32
    %scan3A_19 = arith.constant 1 : i32
    scf.for %scan3A_34 = %scan3A to %scan3A_18 step %scan3A_19  : i32 {
      %mul3A_35 = arith.constant 2 : i32
      %mul3A_36 = arith.muli %mul3A_35, %scan3A_34 : i32
      %add3A_37 = arith.constant 0 : i32
      %add3A_38 = arith.addi %mul3A_36, %add3A_37 : i32
      %add3A_39 = arith.constant 1 : i32
      %add3A_40 = arith.addi %add3A_38, %add3A_39 : i32
      %mul3A_41 = arith.constant 80 : i32
      %mul3A_42 = arith.muli %add3A_40, %mul3A_41 : i32
      %add3A_43 = arith.addi %add3A, %mul3A_42 : i32
      "tpu.region"() ({
        %run_scoped3A = tpu.sem_alloc : memref<!tpu.dma_semaphore, #tpu.memory_space<semaphore_mem>>
        %dma_start3A_71 = tpu.memref_slice %arg3[%add3A_43] : memref<320000xi32, #tpu.memory_space<hbm>> -> memref<80xi32, #tpu.memory_space<hbm>>
        %dma_start3A_72 = tpu.memref_slice %arg3[%add3A_43] : memref<320000xi32, #tpu.memory_space<hbm>> -> memref<80xi32, #tpu.memory_space<hbm>>
        tpu.enqueue_dma source(%dma_start3A_72 : memref<80xi32, #tpu.memory_space<hbm>>) target(%arg8 : memref<80xi32, #tpu.memory_space<vmem>>) target_semaphore(%run_scoped3A : memref<!tpu.dma_semaphore, #tpu.memory_space<semaphore_mem>>)
        %dma_wait3A_73 = tpu.memref_slice %arg3[%add3A_43] : memref<320000xi32, #tpu.memory_space<hbm>> -> memref<80xi32, #tpu.memory_space<hbm>>
        %dma_wait3A_74 = tpu.memref_slice %arg3[%add3A_43] : memref<320000xi32, #tpu.memory_space<hbm>> -> memref<80xi32, #tpu.memory_space<hbm>>
        tpu.wait_dma2 semaphore(%run_scoped3A : memref<!tpu.dma_semaphore, #tpu.memory_space<semaphore_mem>>) src(%dma_wait3A_74 : memref<80xi32, #tpu.memory_space<hbm>>) dst(%arg8 : memref<80xi32, #tpu.memory_space<vmem>>)
        tpu.yield
      }) : () -> ()
      %mul3A_44 = arith.constant 80 : i32
      %mul3A_45 = arith.muli %add3A_40, %mul3A_44 : i32
      %add3A_46 = arith.addi %mul3A_10, %mul3A_45 : i32
      "tpu.region"() ({
        %run_scoped3A = tpu.sem_alloc : memref<!tpu.dma_semaphore, #tpu.memory_space<semaphore_mem>>
        %dma_start3A_71 = tpu.memref_slice %arg4[%add3A_46] : memref<160000xi32, #tpu.memory_space<hbm>> -> memref<80xi32, #tpu.memory_space<hbm>>
        %dma_start3A_72 = tpu.memref_slice %arg4[%add3A_46] : memref<160000xi32, #tpu.memory_space<hbm>> -> memref<80xi32, #tpu.memory_space<hbm>>
        tpu.enqueue_dma source(%dma_start3A_72 : memref<80xi32, #tpu.memory_space<hbm>>) target(%arg10 : memref<80xi32, #tpu.memory_space<vmem>>) target_semaphore(%run_scoped3A : memref<!tpu.dma_semaphore, #tpu.memory_space<semaphore_mem>>)
        %dma_wait3A_73 = tpu.memref_slice %arg4[%add3A_46] : memref<160000xi32, #tpu.memory_space<hbm>> -> memref<80xi32, #tpu.memory_space<hbm>>
        %dma_wait3A_74 = tpu.memref_slice %arg4[%add3A_46] : memref<160000xi32, #tpu.memory_space<hbm>> -> memref<80xi32, #tpu.memory_space<hbm>>
        tpu.wait_dma2 semaphore(%run_scoped3A : memref<!tpu.dma_semaphore, #tpu.memory_space<semaphore_mem>>) src(%dma_wait3A_74 : memref<80xi32, #tpu.memory_space<hbm>>) dst(%arg10 : memref<80xi32, #tpu.memory_space<vmem>>)
        tpu.yield
      }) : () -> ()
      %dma_start3A_47 = arith.constant 0 : i32
      %dma_start3A_48 = arith.constant 0 : i32
      %dma_start3A_49 = tpu.memref_slice %arg2[%dma_start3A_47, %dma_start3A_48] : memref<20000x128xf32, #tpu.memory_space<hbm>> -> memref<20000x128xf32, #tpu.memory_space<hbm>>
      tpu.enqueue_indirect_dma source(%dma_start3A_49 : memref<20000x128xf32, #tpu.memory_space<hbm>>) target(%arg12 : memref<80x128xf32, #tpu.memory_space<vmem>>) offsets(%arg8 : memref<80xi32, #tpu.memory_space<vmem>>) semaphore(%arg15 : memref<!tpu.dma_semaphore, #tpu.memory_space<semaphore_mem>>)
      %dma_wait3A_50 = arith.constant 0 : i32
      %dma_wait3A_51 = arith.constant 0 : i32
      %dma_wait3A_52 = tpu.memref_slice %arg2[%dma_wait3A_50, %dma_wait3A_51] : memref<20000x128xf32, #tpu.memory_space<hbm>> -> memref<20000x128xf32, #tpu.memory_space<hbm>>
      tpu.wait_indirect_dma semaphore(%arg14 : memref<!tpu.dma_semaphore, #tpu.memory_space<semaphore_mem>>) src(%dma_wait3A_52 : memref<20000x128xf32, #tpu.memory_space<hbm>>) dst(%arg11 : memref<80x128xf32, #tpu.memory_space<vmem>>)
      "tpu.region"() ({
        %run_scoped3A = tpu.sem_alloc : memref<!tpu.dma_semaphore, #tpu.memory_space<semaphore_mem>>
        %dma_start3A_71 = arith.constant 0 : i32
        %dma_start3A_72 = arith.constant 0 : i32
        %dma_start3A_73 = tpu.memref_slice %arg13[%dma_start3A_71, %dma_start3A_72] : memref<10000x128xf32, #tpu.memory_space<vmem_shared>> -> memref<10000x128xf32, #tpu.memory_space<vmem_shared>>
        tpu.enqueue_indirect_dma source(%arg11 : memref<80x128xf32, #tpu.memory_space<vmem>>) target(%dma_start3A_73 : memref<10000x128xf32, #tpu.memory_space<vmem_shared>>) offsets(%arg9 : memref<80xi32, #tpu.memory_space<vmem>>) semaphore(%run_scoped3A : memref<!tpu.dma_semaphore, #tpu.memory_space<semaphore_mem>>) {add = true}
        %dma_wait3A_74 = arith.constant 0 : i32
        %dma_wait3A_75 = arith.constant 0 : i32
        %dma_wait3A_76 = tpu.memref_slice %arg13[%dma_wait3A_74, %dma_wait3A_75] : memref<10000x128xf32, #tpu.memory_space<vmem_shared>> -> memref<10000x128xf32, #tpu.memory_space<vmem_shared>>
        tpu.wait_indirect_dma semaphore(%run_scoped3A : memref<!tpu.dma_semaphore, #tpu.memory_space<semaphore_mem>>) src(%arg11 : memref<80x128xf32, #tpu.memory_space<vmem>>) dst(%dma_wait3A_76 : memref<10000x128xf32, #tpu.memory_space<vmem_shared>>)
        tpu.yield
      }) : () -> ()
      %mul3A_53 = arith.constant 2 : i32
      %mul3A_54 = arith.muli %mul3A_53, %scan3A_34 : i32
      %add3A_55 = arith.constant 1 : i32
      %add3A_56 = arith.addi %mul3A_54, %add3A_55 : i32
      %add3A_57 = arith.constant 1 : i32
      %add3A_58 = arith.addi %add3A_56, %add3A_57 : i32
      %mul3A_59 = arith.constant 80 : i32
      %mul3A_60 = arith.muli %add3A_58, %mul3A_59 : i32
      %add3A_61 = arith.addi %add3A, %mul3A_60 : i32
      "tpu.region"() ({
        %run_scoped3A = tpu.sem_alloc : memref<!tpu.dma_semaphore, #tpu.memory_space<semaphore_mem>>
        %dma_start3A_71 = tpu.memref_slice %arg3[%add3A_61] : memref<320000xi32, #tpu.memory_space<hbm>> -> memref<80xi32, #tpu.memory_space<hbm>>
        %dma_start3A_72 = tpu.memref_slice %arg3[%add3A_61] : memref<320000xi32, #tpu.memory_space<hbm>> -> memref<80xi32, #tpu.memory_space<hbm>>
        tpu.enqueue_dma source(%dma_start3A_72 : memref<80xi32, #tpu.memory_space<hbm>>) target(%arg7 : memref<80xi32, #tpu.memory_space<vmem>>) target_semaphore(%run_scoped3A : memref<!tpu.dma_semaphore, #tpu.memory_space<semaphore_mem>>)
        %dma_wait3A_73 = tpu.memref_slice %arg3[%add3A_61] : memref<320000xi32, #tpu.memory_space<hbm>> -> memref<80xi32, #tpu.memory_space<hbm>>
        %dma_wait3A_74 = tpu.memref_slice %arg3[%add3A_61] : memref<320000xi32, #tpu.memory_space<hbm>> -> memref<80xi32, #tpu.memory_space<hbm>>
        tpu.wait_dma2 semaphore(%run_scoped3A : memref<!tpu.dma_semaphore, #tpu.memory_space<semaphore_mem>>) src(%dma_wait3A_74 : memref<80xi32, #tpu.memory_space<hbm>>) dst(%arg7 : memref<80xi32, #tpu.memory_space<vmem>>)
        tpu.yield
      }) : () -> ()
      %mul3A_62 = arith.constant 80 : i32
      %mul3A_63 = arith.muli %add3A_58, %mul3A_62 : i32
      %add3A_64 = arith.addi %mul3A_10, %mul3A_63 : i32
      "tpu.region"() ({
        %run_scoped3A = tpu.sem_alloc : memref<!tpu.dma_semaphore, #tpu.memory_space<semaphore_mem>>
        %dma_start3A_71 = tpu.memref_slice %arg4[%add3A_64] : memref<160000xi32, #tpu.memory_space<hbm>> -> memref<80xi32, #tpu.memory_space<hbm>>
        %dma_start3A_72 = tpu.memref_slice %arg4[%add3A_64] : memref<160000xi32, #tpu.memory_space<hbm>> -> memref<80xi32, #tpu.memory_space<hbm>>
        tpu.enqueue_dma source(%dma_start3A_72 : memref<80xi32, #tpu.memory_space<hbm>>) target(%arg9 : memref<80xi32, #tpu.memory_space<vmem>>) target_semaphore(%run_scoped3A : memref<!tpu.dma_semaphore, #tpu.memory_space<semaphore_mem>>)
        %dma_wait3A_73 = tpu.memref_slice %arg4[%add3A_64] : memref<160000xi32, #tpu.memory_space<hbm>> -> memref<80xi32, #tpu.memory_space<hbm>>
        %dma_wait3A_74 = tpu.memref_slice %arg4[%add3A_64] : memref<160000xi32, #tpu.memory_space<hbm>> -> memref<80xi32, #tpu.memory_space<hbm>>
        tpu.wait_dma2 semaphore(%run_scoped3A : memref<!tpu.dma_semaphore, #tpu.memory_space<semaphore_mem>>) src(%dma_wait3A_74 : memref<80xi32, #tpu.memory_space<hbm>>) dst(%arg9 : memref<80xi32, #tpu.memory_space<vmem>>)
        tpu.yield
      }) : () -> ()
      %dma_start3A_65 = arith.constant 0 : i32
      %dma_start3A_66 = arith.constant 0 : i32
      %dma_start3A_67 = tpu.memref_slice %arg2[%dma_start3A_65, %dma_start3A_66] : memref<20000x128xf32, #tpu.memory_space<hbm>> -> memref<20000x128xf32, #tpu.memory_space<hbm>>
      tpu.enqueue_indirect_dma source(%dma_start3A_67 : memref<20000x128xf32, #tpu.memory_space<hbm>>) target(%arg11 : memref<80x128xf32, #tpu.memory_space<vmem>>) offsets(%arg7 : memref<80xi32, #tpu.memory_space<vmem>>) semaphore(%arg14 : memref<!tpu.dma_semaphore, #tpu.memory_space<semaphore_mem>>)
      %dma_wait3A_68 = arith.constant 0 : i32
      %dma_wait3A_69 = arith.constant 0 : i32
      %dma_wait3A_70 = tpu.memref_slice %arg2[%dma_wait3A_68, %dma_wait3A_69] : memref<20000x128xf32, #tpu.memory_space<hbm>> -> memref<20000x128xf32, #tpu.memory_space<hbm>>
      tpu.wait_indirect_dma semaphore(%arg15 : memref<!tpu.dma_semaphore, #tpu.memory_space<semaphore_mem>>) src(%dma_wait3A_70 : memref<20000x128xf32, #tpu.memory_space<hbm>>) dst(%arg12 : memref<80x128xf32, #tpu.memory_space<vmem>>)
      "tpu.region"() ({
        %run_scoped3A = tpu.sem_alloc : memref<!tpu.dma_semaphore, #tpu.memory_space<semaphore_mem>>
        %dma_start3A_71 = arith.constant 0 : i32
        %dma_start3A_72 = arith.constant 0 : i32
        %dma_start3A_73 = tpu.memref_slice %arg13[%dma_start3A_71, %dma_start3A_72] : memref<10000x128xf32, #tpu.memory_space<vmem_shared>> -> memref<10000x128xf32, #tpu.memory_space<vmem_shared>>
        tpu.enqueue_indirect_dma source(%arg12 : memref<80x128xf32, #tpu.memory_space<vmem>>) target(%dma_start3A_73 : memref<10000x128xf32, #tpu.memory_space<vmem_shared>>) offsets(%arg10 : memref<80xi32, #tpu.memory_space<vmem>>) semaphore(%run_scoped3A : memref<!tpu.dma_semaphore, #tpu.memory_space<semaphore_mem>>) {add = true}
        %dma_wait3A_74 = arith.constant 0 : i32
        %dma_wait3A_75 = arith.constant 0 : i32
        %dma_wait3A_76 = tpu.memref_slice %arg13[%dma_wait3A_74, %dma_wait3A_75] : memref<10000x128xf32, #tpu.memory_space<vmem_shared>> -> memref<10000x128xf32, #tpu.memory_space<vmem_shared>>
        tpu.wait_indirect_dma semaphore(%run_scoped3A : memref<!tpu.dma_semaphore, #tpu.memory_space<semaphore_mem>>) src(%arg12 : memref<80x128xf32, #tpu.memory_space<vmem>>) dst(%dma_wait3A_76 : memref<10000x128xf32, #tpu.memory_space<vmem_shared>>)
        tpu.yield
      }) : () -> ()
    }
    %scan3A_20 = arith.constant 62 : i32
    %dma_wait3A = arith.constant 0 : i32
    %dma_wait3A_21 = arith.constant 0 : i32
    %dma_wait3A_22 = tpu.memref_slice %arg2[%dma_wait3A, %dma_wait3A_21] : memref<20000x128xf32, #tpu.memory_space<hbm>> -> memref<20000x128xf32, #tpu.memory_space<hbm>>
    tpu.wait_indirect_dma semaphore(%arg14 : memref<!tpu.dma_semaphore, #tpu.memory_space<semaphore_mem>>) src(%dma_wait3A_22 : memref<20000x128xf32, #tpu.memory_space<hbm>>) dst(%arg11 : memref<80x128xf32, #tpu.memory_space<vmem>>)
    "tpu.region"() ({
      %run_scoped3A = tpu.sem_alloc : memref<!tpu.dma_semaphore, #tpu.memory_space<semaphore_mem>>
      %dma_start3A_34 = arith.constant 0 : i32
      %dma_start3A_35 = arith.constant 0 : i32
      %dma_start3A_36 = tpu.memref_slice %arg13[%dma_start3A_34, %dma_start3A_35] : memref<10000x128xf32, #tpu.memory_space<vmem_shared>> -> memref<10000x128xf32, #tpu.memory_space<vmem_shared>>
      tpu.enqueue_indirect_dma source(%arg11 : memref<80x128xf32, #tpu.memory_space<vmem>>) target(%dma_start3A_36 : memref<10000x128xf32, #tpu.memory_space<vmem_shared>>) offsets(%arg9 : memref<80xi32, #tpu.memory_space<vmem>>) semaphore(%run_scoped3A : memref<!tpu.dma_semaphore, #tpu.memory_space<semaphore_mem>>) {add = true}
      %dma_wait3A_37 = arith.constant 0 : i32
      %dma_wait3A_38 = arith.constant 0 : i32
      %dma_wait3A_39 = tpu.memref_slice %arg13[%dma_wait3A_37, %dma_wait3A_38] : memref<10000x128xf32, #tpu.memory_space<vmem_shared>> -> memref<10000x128xf32, #tpu.memory_space<vmem_shared>>
      tpu.wait_indirect_dma semaphore(%run_scoped3A : memref<!tpu.dma_semaphore, #tpu.memory_space<semaphore_mem>>) src(%arg11 : memref<80x128xf32, #tpu.memory_space<vmem>>) dst(%dma_wait3A_39 : memref<10000x128xf32, #tpu.memory_space<vmem_shared>>)
      tpu.yield
    }) : () -> ()
    %barrier3A_23 = arith.constant 0 : index
    tpu.barrier barrier_id(%barrier3A_23)
    %lt3A_24 = arith.constant 15 : i32
    %lt3A_25 = arith.cmpi slt, %arg1, %lt3A_24 : i32
    %convert_element_type3A_26 = arith.extui %lt3A_25 : i1 to i32
    %cond3A_27 = arith.constant 0 : i32
    %cond3A_28 = arith.cmpi ne, %convert_element_type3A_26, %cond3A_27 : i32
    scf.if %cond3A_28 {
      %mul3A_34 = arith.constant 624 : i32
      %mul3A_35 = arith.muli %arg1, %mul3A_34 : i32
      %mul3A_36 = arith.constant 10000 : i32
      %mul3A_37 = arith.muli %arg0, %mul3A_36 : i32
      %mul3A_38 = arith.constant 624 : i32
      %mul3A_39 = arith.muli %arg1, %mul3A_38 : i32
      %add3A_40 = arith.addi %mul3A_37, %mul3A_39 : i32
      "tpu.region"() ({
        %run_scoped3A = tpu.sem_alloc : memref<!tpu.dma_semaphore, #tpu.memory_space<semaphore_mem>>
        %dma_start3A_41 = arith.constant 0 : i32
        %dma_start3A_42 = tpu.memref_slice %arg6[%add3A_40, %dma_start3A_41] : memref<20000x128xf32, #tpu.memory_space<hbm>> -> memref<624x128xf32, #tpu.memory_space<hbm>>
        %dma_start3A_43 = arith.constant 0 : i32
        %dma_start3A_44 = tpu.memref_slice %arg13[%mul3A_35, %dma_start3A_43] : memref<10000x128xf32, #tpu.memory_space<vmem_shared>> -> memref<624x128xf32, #tpu.memory_space<vmem_shared>>
        tpu.enqueue_dma source(%dma_start3A_44 : memref<624x128xf32, #tpu.memory_space<vmem_shared>>) target(%dma_start3A_42 : memref<624x128xf32, #tpu.memory_space<hbm>>) target_semaphore(%run_scoped3A : memref<!tpu.dma_semaphore, #tpu.memory_space<semaphore_mem>>)
        %dma_wait3A_45 = arith.constant 0 : i32
        %dma_wait3A_46 = tpu.memref_slice %arg6[%add3A_40, %dma_wait3A_45] : memref<20000x128xf32, #tpu.memory_space<hbm>> -> memref<624x128xf32, #tpu.memory_space<hbm>>
        %dma_wait3A_47 = arith.constant 0 : i32
        %dma_wait3A_48 = tpu.memref_slice %arg13[%mul3A_35, %dma_wait3A_47] : memref<10000x128xf32, #tpu.memory_space<vmem_shared>> -> memref<624x128xf32, #tpu.memory_space<vmem_shared>>
        tpu.wait_dma2 semaphore(%run_scoped3A : memref<!tpu.dma_semaphore, #tpu.memory_space<semaphore_mem>>) src(%dma_wait3A_48 : memref<624x128xf32, #tpu.memory_space<vmem_shared>>) dst(%dma_wait3A_46 : memref<624x128xf32, #tpu.memory_space<hbm>>)
        tpu.yield
      }) : () -> ()
    } else {
    }
    %eq3A_29 = arith.constant 15 : i32
    %eq3A_30 = arith.cmpi eq, %arg1, %eq3A_29 : i32
    %convert_element_type3A_31 = arith.extui %eq3A_30 : i1 to i32
    %cond3A_32 = arith.constant 0 : i32
    %cond3A_33 = arith.cmpi ne, %convert_element_type3A_31, %cond3A_32 : i32
    scf.if %cond3A_33 {
      %mul3A_34 = arith.constant 10000 : i32
      %mul3A_35 = arith.muli %arg0, %mul3A_34 : i32
      %add3A_36 = arith.constant 9360 : i32
      %add3A_37 = arith.addi %mul3A_35, %add3A_36 : i32
      "tpu.region"() ({
        %run_scoped3A = tpu.sem_alloc : memref<!tpu.dma_semaphore, #tpu.memory_space<semaphore_mem>>
        %dma_start3A_38 = arith.constant 0 : i32
        %dma_start3A_39 = tpu.memref_slice %arg6[%add3A_37, %dma_start3A_38] : memref<20000x128xf32, #tpu.memory_space<hbm>> -> memref<640x128xf32, #tpu.memory_space<hbm>>
        %dma_start3A_40 = arith.constant 9360 : i32
        %dma_start3A_41 = arith.constant 0 : i32
        %dma_start3A_42 = tpu.memref_slice %arg13[%dma_start3A_40, %dma_start3A_41] : memref<10000x128xf32, #tpu.memory_space<vmem_shared>> -> memref<640x128xf32, #tpu.memory_space<vmem_shared>>
        tpu.enqueue_dma source(%dma_start3A_42 : memref<640x128xf32, #tpu.memory_space<vmem_shared>>) target(%dma_start3A_39 : memref<640x128xf32, #tpu.memory_space<hbm>>) target_semaphore(%run_scoped3A : memref<!tpu.dma_semaphore, #tpu.memory_space<semaphore_mem>>)
        %dma_wait3A_43 = arith.constant 0 : i32
        %dma_wait3A_44 = tpu.memref_slice %arg6[%add3A_37, %dma_wait3A_43] : memref<20000x128xf32, #tpu.memory_space<hbm>> -> memref<640x128xf32, #tpu.memory_space<hbm>>
        %dma_wait3A_45 = arith.constant 9360 : i32
        %dma_wait3A_46 = arith.constant 0 : i32
        %dma_wait3A_47 = tpu.memref_slice %arg13[%dma_wait3A_45, %dma_wait3A_46] : memref<10000x128xf32, #tpu.memory_space<vmem_shared>> -> memref<640x128xf32, #tpu.memory_space<vmem_shared>>
        tpu.wait_dma2 semaphore(%run_scoped3A : memref<!tpu.dma_semaphore, #tpu.memory_space<semaphore_mem>>) src(%dma_wait3A_47 : memref<640x128xf32, #tpu.memory_space<vmem_shared>>) dst(%dma_wait3A_44 : memref<640x128xf32, #tpu.memory_space<hbm>>)
        tpu.yield
      }) : () -> ()
    } else {
    }
    return
  }
}

#map = affine_map<(d0, d1) -> (0, 0)>
#map1 = affine_map<(d0, d1) -> (0)>
module attributes {stable_mosaic.version = 14 : i64} {
  func.func @_sc_agg_body(%arg0: i32, %arg1: i32, %arg2: memref<20000x128xf32, #tpu.memory_space<hbm>>, %arg3: memref<320000xi32, #tpu.memory_space<hbm>>, %arg4: memref<160000xi32, #tpu.memory_space<hbm>>, %arg5: memref<10000x128xf32, #tpu.memory_space<hbm>>, %arg6: memref<20000x128xf32, #tpu.memory_space<hbm>>, %arg7: memref<80xi32, #tpu.memory_space<vmem>>, %arg8: memref<80xi32, #tpu.memory_space<vmem>>, %arg9: memref<80xi32, #tpu.memory_space<vmem>>, %arg10: memref<80xi32, #tpu.memory_space<vmem>>, %arg11: memref<80x128xf32, #tpu.memory_space<vmem>>, %arg12: memref<80x128xf32, #tpu.memory_space<vmem>>, %arg13: memref<10000x128xf32, #tpu.memory_space<vmem_shared>>, %arg14: memref<!tpu.dma_semaphore, #tpu.memory_space<semaphore_mem>>, %arg15: memref<!tpu.dma_semaphore, #tpu.memory_space<semaphore_mem>>) attributes {dimension_semantics = [#tpu.dimension_semantics<core_parallel>, #tpu.dimension_semantics<subcore_parallel>], iteration_bounds = array<i64: 2, 16>, scalar_prefetch = 0 : i64, scratch_operands = 9 : i64, tpu.core_type = #tpu.core_type<sc_vector_subcore>, window_params = [{transform_indices = #map}, {transform_indices = #map1}, {transform_indices = #map1}, {transform_indices = #map}, {transform_indices = #map}]} {
    %lt3A = arith.constant 15 : i32
    %lt3A_0 = arith.cmpi slt, %arg1, %lt3A : i32
    %convert_element_type3A = arith.extui %lt3A_0 : i1 to i32
    %cond3A = arith.constant 0 : i32
    %cond3A_1 = arith.cmpi ne, %convert_element_type3A, %cond3A : i32
    scf.if %cond3A_1 {
      %mul3A_34 = arith.constant 624 : i32
      %mul3A_35 = arith.muli %arg1, %mul3A_34 : i32
      %mul3A_36 = arith.constant 624 : i32
      %mul3A_37 = arith.muli %arg1, %mul3A_36 : i32
      "tpu.region"() ({
        %run_scoped3A = tpu.sem_alloc : memref<!tpu.dma_semaphore, #tpu.memory_space<semaphore_mem>>
        %dma_start3A_38 = arith.constant 0 : i32
        %dma_start3A_39 = tpu.memref_slice %arg13[%mul3A_37, %dma_start3A_38] : memref<10000x128xf32, #tpu.memory_space<vmem_shared>> -> memref<624x128xf32, #tpu.memory_space<vmem_shared>>
        %dma_start3A_40 = arith.constant 0 : i32
        %dma_start3A_41 = tpu.memref_slice %arg5[%mul3A_35, %dma_start3A_40] : memref<10000x128xf32, #tpu.memory_space<hbm>> -> memref<624x128xf32, #tpu.memory_space<hbm>>
        tpu.enqueue_dma source(%dma_start3A_41 : memref<624x128xf32, #tpu.memory_space<hbm>>) target(%dma_start3A_39 : memref<624x128xf32, #tpu.memory_space<vmem_shared>>) target_semaphore(%run_scoped3A : memref<!tpu.dma_semaphore, #tpu.memory_space<semaphore_mem>>)
        %dma_wait3A_42 = arith.constant 0 : i32
        %dma_wait3A_43 = tpu.memref_slice %arg13[%mul3A_37, %dma_wait3A_42] : memref<10000x128xf32, #tpu.memory_space<vmem_shared>> -> memref<624x128xf32, #tpu.memory_space<vmem_shared>>
        %dma_wait3A_44 = arith.constant 0 : i32
        %dma_wait3A_45 = tpu.memref_slice %arg5[%mul3A_35, %dma_wait3A_44] : memref<10000x128xf32, #tpu.memory_space<hbm>> -> memref<624x128xf32, #tpu.memory_space<hbm>>
        tpu.wait_dma2 semaphore(%run_scoped3A : memref<!tpu.dma_semaphore, #tpu.memory_space<semaphore_mem>>) src(%dma_wait3A_45 : memref<624x128xf32, #tpu.memory_space<hbm>>) dst(%dma_wait3A_43 : memref<624x128xf32, #tpu.memory_space<vmem_shared>>)
        tpu.yield
      }) : () -> ()
    } else {
    }
    %eq3A = arith.constant 15 : i32
    %eq3A_2 = arith.cmpi eq, %arg1, %eq3A : i32
    %convert_element_type3A_3 = arith.extui %eq3A_2 : i1 to i32
    %cond3A_4 = arith.constant 0 : i32
    %cond3A_5 = arith.cmpi ne, %convert_element_type3A_3, %cond3A_4 : i32
    scf.if %cond3A_5 {
      "tpu.region"() ({
        %run_scoped3A = tpu.sem_alloc : memref<!tpu.dma_semaphore, #tpu.memory_space<semaphore_mem>>
        %dma_start3A_34 = arith.constant 9360 : i32
        %dma_start3A_35 = arith.constant 0 : i32
        %dma_start3A_36 = tpu.memref_slice %arg13[%dma_start3A_34, %dma_start3A_35] : memref<10000x128xf32, #tpu.memory_space<vmem_shared>> -> memref<640x128xf32, #tpu.memory_space<vmem_shared>>
        %dma_start3A_37 = arith.constant 9360 : i32
        %dma_start3A_38 = arith.constant 0 : i32
        %dma_start3A_39 = tpu.memref_slice %arg5[%dma_start3A_37, %dma_start3A_38] : memref<10000x128xf32, #tpu.memory_space<hbm>> -> memref<640x128xf32, #tpu.memory_space<hbm>>
        tpu.enqueue_dma source(%dma_start3A_39 : memref<640x128xf32, #tpu.memory_space<hbm>>) target(%dma_start3A_36 : memref<640x128xf32, #tpu.memory_space<vmem_shared>>) target_semaphore(%run_scoped3A : memref<!tpu.dma_semaphore, #tpu.memory_space<semaphore_mem>>)
        %dma_wait3A_40 = arith.constant 9360 : i32
        %dma_wait3A_41 = arith.constant 0 : i32
        %dma_wait3A_42 = tpu.memref_slice %arg13[%dma_wait3A_40, %dma_wait3A_41] : memref<10000x128xf32, #tpu.memory_space<vmem_shared>> -> memref<640x128xf32, #tpu.memory_space<vmem_shared>>
        %dma_wait3A_43 = arith.constant 9360 : i32
        %dma_wait3A_44 = arith.constant 0 : i32
        %dma_wait3A_45 = tpu.memref_slice %arg5[%dma_wait3A_43, %dma_wait3A_44] : memref<10000x128xf32, #tpu.memory_space<hbm>> -> memref<640x128xf32, #tpu.memory_space<hbm>>
        tpu.wait_dma2 semaphore(%run_scoped3A : memref<!tpu.dma_semaphore, #tpu.memory_space<semaphore_mem>>) src(%dma_wait3A_45 : memref<640x128xf32, #tpu.memory_space<hbm>>) dst(%dma_wait3A_42 : memref<640x128xf32, #tpu.memory_space<vmem_shared>>)
        tpu.yield
      }) : () -> ()
    } else {
    }
    %barrier3A = arith.constant 0 : index
    tpu.barrier barrier_id(%barrier3A)
    %mul3A = arith.constant 160000 : i32
    %mul3A_6 = arith.muli %arg0, %mul3A : i32
    %mul3A_7 = arith.constant 10000 : i32
    %mul3A_8 = arith.muli %arg1, %mul3A_7 : i32
    %add3A = arith.addi %mul3A_6, %mul3A_8 : i32
    %mul3A_9 = arith.constant 10000 : i32
    %mul3A_10 = arith.muli %arg1, %mul3A_9 : i32
    %add3A_11 = arith.constant 0 : i32
    %add3A_12 = arith.addi %add3A, %add3A_11 : i32
    "tpu.region"() ({
      %run_scoped3A = tpu.sem_alloc : memref<!tpu.dma_semaphore, #tpu.memory_space<semaphore_mem>>
      %dma_start3A_34 = tpu.memref_slice %arg3[%add3A_12] : memref<320000xi32, #tpu.memory_space<hbm>> -> memref<80xi32, #tpu.memory_space<hbm>>
      %dma_start3A_35 = tpu.memref_slice %arg3[%add3A_12] : memref<320000xi32, #tpu.memory_space<hbm>> -> memref<80xi32, #tpu.memory_space<hbm>>
      tpu.enqueue_dma source(%dma_start3A_35 : memref<80xi32, #tpu.memory_space<hbm>>) target(%arg7 : memref<80xi32, #tpu.memory_space<vmem>>) target_semaphore(%run_scoped3A : memref<!tpu.dma_semaphore, #tpu.memory_space<semaphore_mem>>)
      %dma_wait3A_36 = tpu.memref_slice %arg3[%add3A_12] : memref<320000xi32, #tpu.memory_space<hbm>> -> memref<80xi32, #tpu.memory_space<hbm>>
      %dma_wait3A_37 = tpu.memref_slice %arg3[%add3A_12] : memref<320000xi32, #tpu.memory_space<hbm>> -> memref<80xi32, #tpu.memory_space<hbm>>
      tpu.wait_dma2 semaphore(%run_scoped3A : memref<!tpu.dma_semaphore, #tpu.memory_space<semaphore_mem>>) src(%dma_wait3A_37 : memref<80xi32, #tpu.memory_space<hbm>>) dst(%arg7 : memref<80xi32, #tpu.memory_space<vmem>>)
      tpu.yield
    }) : () -> ()
    %add3A_13 = arith.constant 0 : i32
    %add3A_14 = arith.addi %mul3A_10, %add3A_13 : i32
    "tpu.region"() ({
      %run_scoped3A = tpu.sem_alloc : memref<!tpu.dma_semaphore, #tpu.memory_space<semaphore_mem>>
      %dma_start3A_34 = tpu.memref_slice %arg4[%add3A_14] : memref<160000xi32, #tpu.memory_space<hbm>> -> memref<80xi32, #tpu.memory_space<hbm>>
      %dma_start3A_35 = tpu.memref_slice %arg4[%add3A_14] : memref<160000xi32, #tpu.memory_space<hbm>> -> memref<80xi32, #tpu.memory_space<hbm>>
      tpu.enqueue_dma source(%dma_start3A_35 : memref<80xi32, #tpu.memory_space<hbm>>) target(%arg9 : memref<80xi32, #tpu.memory_space<vmem>>) target_semaphore(%run_scoped3A : memref<!tpu.dma_semaphore, #tpu.memory_space<semaphore_mem>>)
      %dma_wait3A_36 = tpu.memref_slice %arg4[%add3A_14] : memref<160000xi32, #tpu.memory_space<hbm>> -> memref<80xi32, #tpu.memory_space<hbm>>
      %dma_wait3A_37 = tpu.memref_slice %arg4[%add3A_14] : memref<160000xi32, #tpu.memory_space<hbm>> -> memref<80xi32, #tpu.memory_space<hbm>>
      tpu.wait_dma2 semaphore(%run_scoped3A : memref<!tpu.dma_semaphore, #tpu.memory_space<semaphore_mem>>) src(%dma_wait3A_37 : memref<80xi32, #tpu.memory_space<hbm>>) dst(%arg9 : memref<80xi32, #tpu.memory_space<vmem>>)
      tpu.yield
    }) : () -> ()
    %dma_start3A = arith.constant 0 : i32
    %dma_start3A_15 = arith.constant 0 : i32
    %dma_start3A_16 = tpu.memref_slice %arg2[%dma_start3A, %dma_start3A_15] : memref<20000x128xf32, #tpu.memory_space<hbm>> -> memref<20000x128xf32, #tpu.memory_space<hbm>>
    tpu.enqueue_indirect_dma source(%dma_start3A_16 : memref<20000x128xf32, #tpu.memory_space<hbm>>) target(%arg11 : memref<80x128xf32, #tpu.memory_space<vmem>>) offsets(%arg7 : memref<80xi32, #tpu.memory_space<vmem>>) semaphore(%arg14 : memref<!tpu.dma_semaphore, #tpu.memory_space<semaphore_mem>>)
    %scan3A = arith.constant 0 : i32
    %scan3A_17 = arith.constant 62 : i32
    %scan3A_18 = arith.addi %scan3A, %scan3A_17 : i32
    %scan3A_19 = arith.constant 1 : i32
    scf.for %scan3A_34 = %scan3A to %scan3A_18 step %scan3A_19  : i32 {
      %mul3A_35 = arith.constant 2 : i32
      %mul3A_36 = arith.muli %mul3A_35, %scan3A_34 : i32
      %add3A_37 = arith.constant 0 : i32
      %add3A_38 = arith.addi %mul3A_36, %add3A_37 : i32
      %add3A_39 = arith.constant 1 : i32
      %add3A_40 = arith.addi %add3A_38, %add3A_39 : i32
      %mul3A_41 = arith.constant 80 : i32
      %mul3A_42 = arith.muli %add3A_40, %mul3A_41 : i32
      %add3A_43 = arith.addi %add3A, %mul3A_42 : i32
      "tpu.region"() ({
        %run_scoped3A = tpu.sem_alloc : memref<!tpu.dma_semaphore, #tpu.memory_space<semaphore_mem>>
        %dma_start3A_71 = tpu.memref_slice %arg3[%add3A_43] : memref<320000xi32, #tpu.memory_space<hbm>> -> memref<80xi32, #tpu.memory_space<hbm>>
        %dma_start3A_72 = tpu.memref_slice %arg3[%add3A_43] : memref<320000xi32, #tpu.memory_space<hbm>> -> memref<80xi32, #tpu.memory_space<hbm>>
        tpu.enqueue_dma source(%dma_start3A_72 : memref<80xi32, #tpu.memory_space<hbm>>) target(%arg8 : memref<80xi32, #tpu.memory_space<vmem>>) target_semaphore(%run_scoped3A : memref<!tpu.dma_semaphore, #tpu.memory_space<semaphore_mem>>)
        %dma_wait3A_73 = tpu.memref_slice %arg3[%add3A_43] : memref<320000xi32, #tpu.memory_space<hbm>> -> memref<80xi32, #tpu.memory_space<hbm>>
        %dma_wait3A_74 = tpu.memref_slice %arg3[%add3A_43] : memref<320000xi32, #tpu.memory_space<hbm>> -> memref<80xi32, #tpu.memory_space<hbm>>
        tpu.wait_dma2 semaphore(%run_scoped3A : memref<!tpu.dma_semaphore, #tpu.memory_space<semaphore_mem>>) src(%dma_wait3A_74 : memref<80xi32, #tpu.memory_space<hbm>>) dst(%arg8 : memref<80xi32, #tpu.memory_space<vmem>>)
        tpu.yield
      }) : () -> ()
      %mul3A_44 = arith.constant 80 : i32
      %mul3A_45 = arith.muli %add3A_40, %mul3A_44 : i32
      %add3A_46 = arith.addi %mul3A_10, %mul3A_45 : i32
      "tpu.region"() ({
        %run_scoped3A = tpu.sem_alloc : memref<!tpu.dma_semaphore, #tpu.memory_space<semaphore_mem>>
        %dma_start3A_71 = tpu.memref_slice %arg4[%add3A_46] : memref<160000xi32, #tpu.memory_space<hbm>> -> memref<80xi32, #tpu.memory_space<hbm>>
        %dma_start3A_72 = tpu.memref_slice %arg4[%add3A_46] : memref<160000xi32, #tpu.memory_space<hbm>> -> memref<80xi32, #tpu.memory_space<hbm>>
        tpu.enqueue_dma source(%dma_start3A_72 : memref<80xi32, #tpu.memory_space<hbm>>) target(%arg10 : memref<80xi32, #tpu.memory_space<vmem>>) target_semaphore(%run_scoped3A : memref<!tpu.dma_semaphore, #tpu.memory_space<semaphore_mem>>)
        %dma_wait3A_73 = tpu.memref_slice %arg4[%add3A_46] : memref<160000xi32, #tpu.memory_space<hbm>> -> memref<80xi32, #tpu.memory_space<hbm>>
        %dma_wait3A_74 = tpu.memref_slice %arg4[%add3A_46] : memref<160000xi32, #tpu.memory_space<hbm>> -> memref<80xi32, #tpu.memory_space<hbm>>
        tpu.wait_dma2 semaphore(%run_scoped3A : memref<!tpu.dma_semaphore, #tpu.memory_space<semaphore_mem>>) src(%dma_wait3A_74 : memref<80xi32, #tpu.memory_space<hbm>>) dst(%arg10 : memref<80xi32, #tpu.memory_space<vmem>>)
        tpu.yield
      }) : () -> ()
      %dma_start3A_47 = arith.constant 0 : i32
      %dma_start3A_48 = arith.constant 0 : i32
      %dma_start3A_49 = tpu.memref_slice %arg2[%dma_start3A_47, %dma_start3A_48] : memref<20000x128xf32, #tpu.memory_space<hbm>> -> memref<20000x128xf32, #tpu.memory_space<hbm>>
      tpu.enqueue_indirect_dma source(%dma_start3A_49 : memref<20000x128xf32, #tpu.memory_space<hbm>>) target(%arg12 : memref<80x128xf32, #tpu.memory_space<vmem>>) offsets(%arg8 : memref<80xi32, #tpu.memory_space<vmem>>) semaphore(%arg15 : memref<!tpu.dma_semaphore, #tpu.memory_space<semaphore_mem>>)
      %dma_wait3A_50 = arith.constant 0 : i32
      %dma_wait3A_51 = arith.constant 0 : i32
      %dma_wait3A_52 = tpu.memref_slice %arg2[%dma_wait3A_50, %dma_wait3A_51] : memref<20000x128xf32, #tpu.memory_space<hbm>> -> memref<20000x128xf32, #tpu.memory_space<hbm>>
      tpu.wait_indirect_dma semaphore(%arg14 : memref<!tpu.dma_semaphore, #tpu.memory_space<semaphore_mem>>) src(%dma_wait3A_52 : memref<20000x128xf32, #tpu.memory_space<hbm>>) dst(%arg11 : memref<80x128xf32, #tpu.memory_space<vmem>>)
      "tpu.region"() ({
        %run_scoped3A = tpu.sem_alloc : memref<!tpu.dma_semaphore, #tpu.memory_space<semaphore_mem>>
        %dma_start3A_71 = arith.constant 0 : i32
        %dma_start3A_72 = arith.constant 0 : i32
        %dma_start3A_73 = tpu.memref_slice %arg13[%dma_start3A_71, %dma_start3A_72] : memref<10000x128xf32, #tpu.memory_space<vmem_shared>> -> memref<10000x128xf32, #tpu.memory_space<vmem_shared>>
        tpu.enqueue_indirect_dma source(%arg11 : memref<80x128xf32, #tpu.memory_space<vmem>>) target(%dma_start3A_73 : memref<10000x128xf32, #tpu.memory_space<vmem_shared>>) offsets(%arg9 : memref<80xi32, #tpu.memory_space<vmem>>) semaphore(%run_scoped3A : memref<!tpu.dma_semaphore, #tpu.memory_space<semaphore_mem>>) {add = true}
        %dma_wait3A_74 = arith.constant 0 : i32
        %dma_wait3A_75 = arith.constant 0 : i32
        %dma_wait3A_76 = tpu.memref_slice %arg13[%dma_wait3A_74, %dma_wait3A_75] : memref<10000x128xf32, #tpu.memory_space<vmem_shared>> -> memref<10000x128xf32, #tpu.memory_space<vmem_shared>>
        tpu.wait_indirect_dma semaphore(%run_scoped3A : memref<!tpu.dma_semaphore, #tpu.memory_space<semaphore_mem>>) src(%arg11 : memref<80x128xf32, #tpu.memory_space<vmem>>) dst(%dma_wait3A_76 : memref<10000x128xf32, #tpu.memory_space<vmem_shared>>)
        tpu.yield
      }) : () -> ()
      %mul3A_53 = arith.constant 2 : i32
      %mul3A_54 = arith.muli %mul3A_53, %scan3A_34 : i32
      %add3A_55 = arith.constant 1 : i32
      %add3A_56 = arith.addi %mul3A_54, %add3A_55 : i32
      %add3A_57 = arith.constant 1 : i32
      %add3A_58 = arith.addi %add3A_56, %add3A_57 : i32
      %mul3A_59 = arith.constant 80 : i32
      %mul3A_60 = arith.muli %add3A_58, %mul3A_59 : i32
      %add3A_61 = arith.addi %add3A, %mul3A_60 : i32
      "tpu.region"() ({
        %run_scoped3A = tpu.sem_alloc : memref<!tpu.dma_semaphore, #tpu.memory_space<semaphore_mem>>
        %dma_start3A_71 = tpu.memref_slice %arg3[%add3A_61] : memref<320000xi32, #tpu.memory_space<hbm>> -> memref<80xi32, #tpu.memory_space<hbm>>
        %dma_start3A_72 = tpu.memref_slice %arg3[%add3A_61] : memref<320000xi32, #tpu.memory_space<hbm>> -> memref<80xi32, #tpu.memory_space<hbm>>
        tpu.enqueue_dma source(%dma_start3A_72 : memref<80xi32, #tpu.memory_space<hbm>>) target(%arg7 : memref<80xi32, #tpu.memory_space<vmem>>) target_semaphore(%run_scoped3A : memref<!tpu.dma_semaphore, #tpu.memory_space<semaphore_mem>>)
        %dma_wait3A_73 = tpu.memref_slice %arg3[%add3A_61] : memref<320000xi32, #tpu.memory_space<hbm>> -> memref<80xi32, #tpu.memory_space<hbm>>
        %dma_wait3A_74 = tpu.memref_slice %arg3[%add3A_61] : memref<320000xi32, #tpu.memory_space<hbm>> -> memref<80xi32, #tpu.memory_space<hbm>>
        tpu.wait_dma2 semaphore(%run_scoped3A : memref<!tpu.dma_semaphore, #tpu.memory_space<semaphore_mem>>) src(%dma_wait3A_74 : memref<80xi32, #tpu.memory_space<hbm>>) dst(%arg7 : memref<80xi32, #tpu.memory_space<vmem>>)
        tpu.yield
      }) : () -> ()
      %mul3A_62 = arith.constant 80 : i32
      %mul3A_63 = arith.muli %add3A_58, %mul3A_62 : i32
      %add3A_64 = arith.addi %mul3A_10, %mul3A_63 : i32
      "tpu.region"() ({
        %run_scoped3A = tpu.sem_alloc : memref<!tpu.dma_semaphore, #tpu.memory_space<semaphore_mem>>
        %dma_start3A_71 = tpu.memref_slice %arg4[%add3A_64] : memref<160000xi32, #tpu.memory_space<hbm>> -> memref<80xi32, #tpu.memory_space<hbm>>
        %dma_start3A_72 = tpu.memref_slice %arg4[%add3A_64] : memref<160000xi32, #tpu.memory_space<hbm>> -> memref<80xi32, #tpu.memory_space<hbm>>
        tpu.enqueue_dma source(%dma_start3A_72 : memref<80xi32, #tpu.memory_space<hbm>>) target(%arg9 : memref<80xi32, #tpu.memory_space<vmem>>) target_semaphore(%run_scoped3A : memref<!tpu.dma_semaphore, #tpu.memory_space<semaphore_mem>>)
        %dma_wait3A_73 = tpu.memref_slice %arg4[%add3A_64] : memref<160000xi32, #tpu.memory_space<hbm>> -> memref<80xi32, #tpu.memory_space<hbm>>
        %dma_wait3A_74 = tpu.memref_slice %arg4[%add3A_64] : memref<160000xi32, #tpu.memory_space<hbm>> -> memref<80xi32, #tpu.memory_space<hbm>>
        tpu.wait_dma2 semaphore(%run_scoped3A : memref<!tpu.dma_semaphore, #tpu.memory_space<semaphore_mem>>) src(%dma_wait3A_74 : memref<80xi32, #tpu.memory_space<hbm>>) dst(%arg9 : memref<80xi32, #tpu.memory_space<vmem>>)
        tpu.yield
      }) : () -> ()
      %dma_start3A_65 = arith.constant 0 : i32
      %dma_start3A_66 = arith.constant 0 : i32
      %dma_start3A_67 = tpu.memref_slice %arg2[%dma_start3A_65, %dma_start3A_66] : memref<20000x128xf32, #tpu.memory_space<hbm>> -> memref<20000x128xf32, #tpu.memory_space<hbm>>
      tpu.enqueue_indirect_dma source(%dma_start3A_67 : memref<20000x128xf32, #tpu.memory_space<hbm>>) target(%arg11 : memref<80x128xf32, #tpu.memory_space<vmem>>) offsets(%arg7 : memref<80xi32, #tpu.memory_space<vmem>>) semaphore(%arg14 : memref<!tpu.dma_semaphore, #tpu.memory_space<semaphore_mem>>)
      %dma_wait3A_68 = arith.constant 0 : i32
      %dma_wait3A_69 = arith.constant 0 : i32
      %dma_wait3A_70 = tpu.memref_slice %arg2[%dma_wait3A_68, %dma_wait3A_69] : memref<20000x128xf32, #tpu.memory_space<hbm>> -> memref<20000x128xf32, #tpu.memory_space<hbm>>
      tpu.wait_indirect_dma semaphore(%arg15 : memref<!tpu.dma_semaphore, #tpu.memory_space<semaphore_mem>>) src(%dma_wait3A_70 : memref<20000x128xf32, #tpu.memory_space<hbm>>) dst(%arg12 : memref<80x128xf32, #tpu.memory_space<vmem>>)
      "tpu.region"() ({
        %run_scoped3A = tpu.sem_alloc : memref<!tpu.dma_semaphore, #tpu.memory_space<semaphore_mem>>
        %dma_start3A_71 = arith.constant 0 : i32
        %dma_start3A_72 = arith.constant 0 : i32
        %dma_start3A_73 = tpu.memref_slice %arg13[%dma_start3A_71, %dma_start3A_72] : memref<10000x128xf32, #tpu.memory_space<vmem_shared>> -> memref<10000x128xf32, #tpu.memory_space<vmem_shared>>
        tpu.enqueue_indirect_dma source(%arg12 : memref<80x128xf32, #tpu.memory_space<vmem>>) target(%dma_start3A_73 : memref<10000x128xf32, #tpu.memory_space<vmem_shared>>) offsets(%arg10 : memref<80xi32, #tpu.memory_space<vmem>>) semaphore(%run_scoped3A : memref<!tpu.dma_semaphore, #tpu.memory_space<semaphore_mem>>) {add = true}
        %dma_wait3A_74 = arith.constant 0 : i32
        %dma_wait3A_75 = arith.constant 0 : i32
        %dma_wait3A_76 = tpu.memref_slice %arg13[%dma_wait3A_74, %dma_wait3A_75] : memref<10000x128xf32, #tpu.memory_space<vmem_shared>> -> memref<10000x128xf32, #tpu.memory_space<vmem_shared>>
        tpu.wait_indirect_dma semaphore(%run_scoped3A : memref<!tpu.dma_semaphore, #tpu.memory_space<semaphore_mem>>) src(%arg12 : memref<80x128xf32, #tpu.memory_space<vmem>>) dst(%dma_wait3A_76 : memref<10000x128xf32, #tpu.memory_space<vmem_shared>>)
        tpu.yield
      }) : () -> ()
    }
    %scan3A_20 = arith.constant 62 : i32
    %dma_wait3A = arith.constant 0 : i32
    %dma_wait3A_21 = arith.constant 0 : i32
    %dma_wait3A_22 = tpu.memref_slice %arg2[%dma_wait3A, %dma_wait3A_21] : memref<20000x128xf32, #tpu.memory_space<hbm>> -> memref<20000x128xf32, #tpu.memory_space<hbm>>
    tpu.wait_indirect_dma semaphore(%arg14 : memref<!tpu.dma_semaphore, #tpu.memory_space<semaphore_mem>>) src(%dma_wait3A_22 : memref<20000x128xf32, #tpu.memory_space<hbm>>) dst(%arg11 : memref<80x128xf32, #tpu.memory_space<vmem>>)
    "tpu.region"() ({
      %run_scoped3A = tpu.sem_alloc : memref<!tpu.dma_semaphore, #tpu.memory_space<semaphore_mem>>
      %dma_start3A_34 = arith.constant 0 : i32
      %dma_start3A_35 = arith.constant 0 : i32
      %dma_start3A_36 = tpu.memref_slice %arg13[%dma_start3A_34, %dma_start3A_35] : memref<10000x128xf32, #tpu.memory_space<vmem_shared>> -> memref<10000x128xf32, #tpu.memory_space<vmem_shared>>
      tpu.enqueue_indirect_dma source(%arg11 : memref<80x128xf32, #tpu.memory_space<vmem>>) target(%dma_start3A_36 : memref<10000x128xf32, #tpu.memory_space<vmem_shared>>) offsets(%arg9 : memref<80xi32, #tpu.memory_space<vmem>>) semaphore(%run_scoped3A : memref<!tpu.dma_semaphore, #tpu.memory_space<semaphore_mem>>) {add = true}
      %dma_wait3A_37 = arith.constant 0 : i32
      %dma_wait3A_38 = arith.constant 0 : i32
      %dma_wait3A_39 = tpu.memref_slice %arg13[%dma_wait3A_37, %dma_wait3A_38] : memref<10000x128xf32, #tpu.memory_space<vmem_shared>> -> memref<10000x128xf32, #tpu.memory_space<vmem_shared>>
      tpu.wait_indirect_dma semaphore(%run_scoped3A : memref<!tpu.dma_semaphore, #tpu.memory_space<semaphore_mem>>) src(%arg11 : memref<80x128xf32, #tpu.memory_space<vmem>>) dst(%dma_wait3A_39 : memref<10000x128xf32, #tpu.memory_space<vmem_shared>>)
      tpu.yield
    }) : () -> ()
    %barrier3A_23 = arith.constant 0 : index
    tpu.barrier barrier_id(%barrier3A_23)
    %lt3A_24 = arith.constant 15 : i32
    %lt3A_25 = arith.cmpi slt, %arg1, %lt3A_24 : i32
    %convert_element_type3A_26 = arith.extui %lt3A_25 : i1 to i32
    %cond3A_27 = arith.constant 0 : i32
    %cond3A_28 = arith.cmpi ne, %convert_element_type3A_26, %cond3A_27 : i32
    scf.if %cond3A_28 {
      %mul3A_34 = arith.constant 624 : i32
      %mul3A_35 = arith.muli %arg1, %mul3A_34 : i32
      %mul3A_36 = arith.constant 10000 : i32
      %mul3A_37 = arith.muli %arg0, %mul3A_36 : i32
      %mul3A_38 = arith.constant 624 : i32
      %mul3A_39 = arith.muli %arg1, %mul3A_38 : i32
      %add3A_40 = arith.addi %mul3A_37, %mul3A_39 : i32
      "tpu.region"() ({
        %run_scoped3A = tpu.sem_alloc : memref<!tpu.dma_semaphore, #tpu.memory_space<semaphore_mem>>
        %dma_start3A_41 = arith.constant 0 : i32
        %dma_start3A_42 = tpu.memref_slice %arg6[%add3A_40, %dma_start3A_41] : memref<20000x128xf32, #tpu.memory_space<hbm>> -> memref<624x128xf32, #tpu.memory_space<hbm>>
        %dma_start3A_43 = arith.constant 0 : i32
        %dma_start3A_44 = tpu.memref_slice %arg13[%mul3A_35, %dma_start3A_43] : memref<10000x128xf32, #tpu.memory_space<vmem_shared>> -> memref<624x128xf32, #tpu.memory_space<vmem_shared>>
        tpu.enqueue_dma source(%dma_start3A_44 : memref<624x128xf32, #tpu.memory_space<vmem_shared>>) target(%dma_start3A_42 : memref<624x128xf32, #tpu.memory_space<hbm>>) target_semaphore(%run_scoped3A : memref<!tpu.dma_semaphore, #tpu.memory_space<semaphore_mem>>)
        %dma_wait3A_45 = arith.constant 0 : i32
        %dma_wait3A_46 = tpu.memref_slice %arg6[%add3A_40, %dma_wait3A_45] : memref<20000x128xf32, #tpu.memory_space<hbm>> -> memref<624x128xf32, #tpu.memory_space<hbm>>
        %dma_wait3A_47 = arith.constant 0 : i32
        %dma_wait3A_48 = tpu.memref_slice %arg13[%mul3A_35, %dma_wait3A_47] : memref<10000x128xf32, #tpu.memory_space<vmem_shared>> -> memref<624x128xf32, #tpu.memory_space<vmem_shared>>
        tpu.wait_dma2 semaphore(%run_scoped3A : memref<!tpu.dma_semaphore, #tpu.memory_space<semaphore_mem>>) src(%dma_wait3A_48 : memref<624x128xf32, #tpu.memory_space<vmem_shared>>) dst(%dma_wait3A_46 : memref<624x128xf32, #tpu.memory_space<hbm>>)
        tpu.yield
      }) : () -> ()
    } else {
    }
    %eq3A_29 = arith.constant 15 : i32
    %eq3A_30 = arith.cmpi eq, %arg1, %eq3A_29 : i32
    %convert_element_type3A_31 = arith.extui %eq3A_30 : i1 to i32
    %cond3A_32 = arith.constant 0 : i32
    %cond3A_33 = arith.cmpi ne, %convert_element_type3A_31, %cond3A_32 : i32
    scf.if %cond3A_33 {
      %mul3A_34 = arith.constant 10000 : i32
      %mul3A_35 = arith.muli %arg0, %mul3A_34 : i32
      %add3A_36 = arith.constant 9360 : i32
      %add3A_37 = arith.addi %mul3A_35, %add3A_36 : i32
      "tpu.region"() ({
        %run_scoped3A = tpu.sem_alloc : memref<!tpu.dma_semaphore, #tpu.memory_space<semaphore_mem>>
        %dma_start3A_38 = arith.constant 0 : i32
        %dma_start3A_39 = tpu.memref_slice %arg6[%add3A_37, %dma_start3A_38] : memref<20000x128xf32, #tpu.memory_space<hbm>> -> memref<640x128xf32, #tpu.memory_space<hbm>>
        %dma_start3A_40 = arith.constant 9360 : i32
        %dma_start3A_41 = arith.constant 0 : i32
        %dma_start3A_42 = tpu.memref_slice %arg13[%dma_start3A_40, %dma_start3A_41] : memref<10000x128xf32, #tpu.memory_space<vmem_shared>> -> memref<640x128xf32, #tpu.memory_space<vmem_shared>>
        tpu.enqueue_dma source(%dma_start3A_42 : memref<640x128xf32, #tpu.memory_space<vmem_shared>>) target(%dma_start3A_39 : memref<640x128xf32, #tpu.memory_space<hbm>>) target_semaphore(%run_scoped3A : memref<!tpu.dma_semaphore, #tpu.memory_space<semaphore_mem>>)
        %dma_wait3A_43 = arith.constant 0 : i32
        %dma_wait3A_44 = tpu.memref_slice %arg6[%add3A_37, %dma_wait3A_43] : memref<20000x128xf32, #tpu.memory_space<hbm>> -> memref<640x128xf32, #tpu.memory_space<hbm>>
        %dma_wait3A_45 = arith.constant 9360 : i32
        %dma_wait3A_46 = arith.constant 0 : i32
        %dma_wait3A_47 = tpu.memref_slice %arg13[%dma_wait3A_45, %dma_wait3A_46] : memref<10000x128xf32, #tpu.memory_space<vmem_shared>> -> memref<640x128xf32, #tpu.memory_space<vmem_shared>>
        tpu.wait_dma2 semaphore(%run_scoped3A : memref<!tpu.dma_semaphore, #tpu.memory_space<semaphore_mem>>) src(%dma_wait3A_47 : memref<640x128xf32, #tpu.memory_space<vmem_shared>>) dst(%dma_wait3A_44 : memref<640x128xf32, #tpu.memory_space<hbm>>)
        tpu.yield
      }) : () -> ()
    } else {
    }
    return
  }
}

module attributes {stable_mosaic.version = 14 : i64} {
  func.func @_k1_body(%arg0: i32, %arg1: memref<1x1xf32, #tpu.memory_space<smem>>, %arg2: memref<2x1000x128xf32, #tpu.memory_space<vmem>>, %arg3: memref<2x1000x128xf32, #tpu.memory_space<vmem>>, %arg4: memref<256x256xf32, #tpu.memory_space<vmem>>, %arg5: memref<1x256xf32, #tpu.memory_space<vmem>>, %arg6: memref<1000x256xf32, #tpu.memory_space<vmem>>, %arg7: memref<2x256xf32, #tpu.memory_space<vmem>>) attributes {dimension_semantics = [#tpu.dimension_semantics<arbitrary>], iteration_bounds = array<i64: 10>, scalar_prefetch = 0 : i64, scratch_operands = 0 : i64, tpu.core_type = #tpu.core_type<tc>, window_params = [{transform_indices = @transform_0, window_bounds = array<i64: 1, 1>}, {transform_indices = @transform_1, window_bounds = array<i64: 2, 1000, 128>}, {transform_indices = @transform_2, window_bounds = array<i64: 2, 1000, 128>}, {pipeline_mode = #tpu.pipeline_mode<synchronous>, transform_indices = @transform_3, window_bounds = array<i64: 256, 256>}, {pipeline_mode = #tpu.pipeline_mode<synchronous>, transform_indices = @transform_4, window_bounds = array<i64: 1, 256>}, {transform_indices = @transform_5, window_bounds = array<i64: 1000, 256>}, {pipeline_mode = #tpu.pipeline_mode<synchronous>, transform_indices = @transform_6, window_bounds = array<i64: 2, 256>}]} {
    %eq3A = arith.constant 0 : i32
    %eq3A_0 = arith.cmpi eq, %arg0, %eq3A : i32
    %convert_element_type3A = arith.extui %eq3A_0 : i1 to i32
    %cond3A = arith.constant 0 : i32
    %cond3A_1 = arith.cmpi ne, %convert_element_type3A, %cond3A : i32
    scf.if %cond3A_1 {
      %broadcast_in_dim3A = arith.constant 0.000000e+00 : f32
      %broadcast_in_dim3A_54 = vector.broadcast %broadcast_in_dim3A : f32 to vector<2x256xf32>
      %swap3A_55 = arith.constant 0 : index
      %swap3A_56 = arith.constant 0 : index
      %swap3A_57 = vector.load %arg7[%swap3A_55, %swap3A_56] : memref<2x256xf32, #tpu.memory_space<vmem>>, vector<2x256xf32>
      tpu.vector_store %arg7[%swap3A_55, %swap3A_56], %broadcast_in_dim3A_54 {strides = array<i32>} : memref<2x256xf32, #tpu.memory_space<vmem>>, vector<2x256xf32>,
    } else {
    }
    %get3A = arith.constant 0 : index
    %get3A_2 = arith.constant 0 : index
    %get3A_3 = memref.load %arg1[%get3A, %get3A_2] : memref<1x1xf32, #tpu.memory_space<smem>>
    %add3A = arith.constant 1.000000e+00 : f32
    %add3A_4 = arith.addf %add3A, %get3A_3 : f32
    %get3A_5 = arith.constant 0 : index
    %get3A_6 = arith.constant 0 : index
    %get3A_7 = arith.constant 0 : index
    %get3A_8 = vector.load %arg2[%get3A_5, %get3A_6, %get3A_7] : memref<2x1000x128xf32, #tpu.memory_space<vmem>>, vector<1x1000x128xf32>
    %get3A_9 = vector.shape_cast %get3A_8 : vector<1x1000x128xf32> to vector<1000x128xf32>
    %mul3A = vector.broadcast %add3A_4 : f32 to vector<1000x128xf32>
    %mul3A_10 = arith.mulf %mul3A, %get3A_9 : vector<1000x128xf32>
    %get3A_11 = arith.constant 0 : index
    %get3A_12 = arith.constant 0 : index
    %get3A_13 = arith.constant 0 : index
    %get3A_14 = vector.load %arg3[%get3A_11, %get3A_12, %get3A_13] : memref<2x1000x128xf32, #tpu.memory_space<vmem>>, vector<1x1000x128xf32>
    %get3A_15 = vector.shape_cast %get3A_14 : vector<1x1000x128xf32> to vector<1000x128xf32>
    %add3A_16 = arith.addf %mul3A_10, %get3A_15 : vector<1000x128xf32>
    %get3A_17 = arith.constant 1 : index
    %get3A_18 = arith.constant 0 : index
    %get3A_19 = arith.constant 0 : index
    %get3A_20 = vector.load %arg2[%get3A_17, %get3A_18, %get3A_19] : memref<2x1000x128xf32, #tpu.memory_space<vmem>>, vector<1x1000x128xf32>
    %get3A_21 = vector.shape_cast %get3A_20 : vector<1x1000x128xf32> to vector<1000x128xf32>
    %mul3A_22 = vector.broadcast %add3A_4 : f32 to vector<1000x128xf32>
    %mul3A_23 = arith.mulf %mul3A_22, %get3A_21 : vector<1000x128xf32>
    %get3A_24 = arith.constant 1 : index
    %get3A_25 = arith.constant 0 : index
    %get3A_26 = arith.constant 0 : index
    %get3A_27 = vector.load %arg3[%get3A_24, %get3A_25, %get3A_26] : memref<2x1000x128xf32, #tpu.memory_space<vmem>>, vector<1x1000x128xf32>
    %get3A_28 = vector.shape_cast %get3A_27 : vector<1x1000x128xf32> to vector<1000x128xf32>
    %add3A_29 = arith.addf %mul3A_23, %get3A_28 : vector<1000x128xf32>
    %concatenate3A = tpu.concatenate %add3A_16, %add3A_29 in 1 : vector<1000x128xf32>, vector<1000x128xf32> -> vector<1000x256xf32>
    %get3A_30 = arith.constant 0 : index
    %get3A_31 = arith.constant 0 : index
    %get3A_32 = vector.load %arg4[%get3A_30, %get3A_31] : memref<256x256xf32, #tpu.memory_space<vmem>>, vector<256x256xf32>
    %dot_general3A = arith.constant dense<0.000000e+00> : vector<1000x256xf32>
    %dot_general3A_33 = tpu.matmul %concatenate3A, %get3A_32, %dot_general3A {dimension_numbers = #tpu.dot_dimension_numbers<[1], [0], [0], [1], [0, 0, 1, 1], [], []>, transpose_lhs_hint = false} : vector<1000x256xf32>, vector<256x256xf32>, vector<1000x256xf32> -> vector<1000x256xf32>
    %get3A_34 = arith.constant 0 : index
    %get3A_35 = arith.constant 0 : index
    %get3A_36 = vector.load %arg5[%get3A_34, %get3A_35] : memref<1x256xf32, #tpu.memory_space<vmem>>, vector<1x256xf32>
    %add3A_37 = vector.broadcast %get3A_36 : vector<1x256xf32> to vector<1000x256xf32>
    %add3A_38 = arith.addf %dot_general3A_33, %add3A_37 : vector<1000x256xf32>
    %swap3A = arith.constant 0 : index
    %swap3A_39 = arith.constant 0 : index
    %swap3A_40 = vector.load %arg6[%swap3A, %swap3A_39] : memref<1000x256xf32, #tpu.memory_space<vmem>>, vector<1000x256xf32>
    tpu.vector_store %arg6[%swap3A, %swap3A_39], %add3A_38 {strides = array<i32>} : memref<1000x256xf32, #tpu.memory_space<vmem>>, vector<1000x256xf32>,
    %get3A_41 = arith.constant 0 : index
    %get3A_42 = arith.constant 0 : index
    %get3A_43 = vector.load %arg7[%get3A_41, %get3A_42] : memref<2x256xf32, #tpu.memory_space<vmem>>, vector<2x256xf32>
    %reduce_sum3A = arith.constant dense<0.000000e+00> : vector<256xf32>
    %reduce_sum3A_44 = vector.multi_reduction <add>, %add3A_38, %reduce_sum3A [0] : vector<1000x256xf32> to vector<256xf32>
    %mul3A_45 = arith.mulf %add3A_38, %add3A_38 : vector<1000x256xf32>
    %reduce_sum3A_46 = arith.constant dense<0.000000e+00> : vector<256xf32>
    %reduce_sum3A_47 = vector.multi_reduction <add>, %mul3A_45, %reduce_sum3A_46 [0] : vector<1000x256xf32> to vector<256xf32>
    %stack3A = vector.shape_cast %reduce_sum3A_44 : vector<256xf32> to vector<1x256xf32>
    %stack3A_48 = vector.shape_cast %reduce_sum3A_47 : vector<256xf32> to vector<1x256xf32>
    %stack3A_49 = tpu.concatenate %stack3A, %stack3A_48 in 0 : vector<1x256xf32>, vector<1x256xf32> -> vector<2x256xf32>
    %add3A_50 = arith.addf %get3A_43, %stack3A_49 : vector<2x256xf32>
    %swap3A_51 = arith.constant 0 : index
    %swap3A_52 = arith.constant 0 : index
    %swap3A_53 = vector.load %arg7[%swap3A_51, %swap3A_52] : memref<2x256xf32, #tpu.memory_space<vmem>>, vector<2x256xf32>
    tpu.vector_store %arg7[%swap3A_51, %swap3A_52], %add3A_50 {strides = array<i32>} : memref<2x256xf32, #tpu.memory_space<vmem>>, vector<2x256xf32>,
    return
  }
  func.func @transform_0(%arg0: i32) -> (i32, i32) {
    %c0_i32 = arith.constant 0 : i32
    %c0_i32_0 = arith.constant 0 : i32
    %c0_i32_1 = arith.constant 0 : i32
    return %c0_i32, %c0_i32_0 : i32, i32
  }
  func.func @transform_1(%arg0: i32) -> (i32, i32, i32) {
    %c0_i32 = arith.constant 0 : i32
    %c0_i32_0 = arith.constant 0 : i32
    %c0_i32_1 = arith.constant 0 : i32
    return %c0_i32, %arg0, %c0_i32_0 : i32, i32, i32
  }
  func.func @transform_2(%arg0: i32) -> (i32, i32, i32) {
    %c0_i32 = arith.constant 0 : i32
    %c0_i32_0 = arith.constant 0 : i32
    %c0_i32_1 = arith.constant 0 : i32
    return %c0_i32, %arg0, %c0_i32_0 : i32, i32, i32
  }
  func.func @transform_3(%arg0: i32) -> (i32, i32) {
    %c0_i32 = arith.constant 0 : i32
    %c0_i32_0 = arith.constant 0 : i32
    %c0_i32_1 = arith.constant 0 : i32
    return %c0_i32, %c0_i32_0 : i32, i32
  }
  func.func @transform_4(%arg0: i32) -> (i32, i32) {
    %c0_i32 = arith.constant 0 : i32
    %c0_i32_0 = arith.constant 0 : i32
    %c0_i32_1 = arith.constant 0 : i32
    return %c0_i32, %c0_i32_0 : i32, i32
  }
  func.func @transform_5(%arg0: i32) -> (i32, i32) {
    %c0_i32 = arith.constant 0 : i32
    %c0_i32_0 = arith.constant 0 : i32
    return %arg0, %c0_i32 : i32, i32
  }
  func.func @transform_6(%arg0: i32) -> (i32, i32) {
    %c0_i32 = arith.constant 0 : i32
    %c0_i32_0 = arith.constant 0 : i32
    %c0_i32_1 = arith.constant 0 : i32
    return %c0_i32, %c0_i32_0 : i32, i32
  }
}

module attributes {stable_mosaic.version = 14 : i64} {
  func.func @_k2_body(%arg0: i32, %arg1: memref<1000x256xf32, #tpu.memory_space<vmem>>, %arg2: memref<2x256xf32, #tpu.memory_space<vmem>>, %arg3: memref<1x256xf32, #tpu.memory_space<vmem>>, %arg4: memref<1x256xf32, #tpu.memory_space<vmem>>, %arg5: memref<256x256xf32, #tpu.memory_space<vmem>>, %arg6: memref<1x256xf32, #tpu.memory_space<vmem>>, %arg7: memref<1000x256xf32, #tpu.memory_space<vmem>>, %arg8: memref<2x256xf32, #tpu.memory_space<vmem>>) attributes {dimension_semantics = [#tpu.dimension_semantics<arbitrary>], iteration_bounds = array<i64: 10>, scalar_prefetch = 0 : i64, scratch_operands = 0 : i64, tpu.core_type = #tpu.core_type<tc>, window_params = [{transform_indices = @transform_0, window_bounds = array<i64: 1000, 256>}, {pipeline_mode = #tpu.pipeline_mode<synchronous>, transform_indices = @transform_1, window_bounds = array<i64: 2, 256>}, {pipeline_mode = #tpu.pipeline_mode<synchronous>, transform_indices = @transform_2, window_bounds = array<i64: 1, 256>}, {pipeline_mode = #tpu.pipeline_mode<synchronous>, transform_indices = @transform_3, window_bounds = array<i64: 1, 256>}, {pipeline_mode = #tpu.pipeline_mode<synchronous>, transform_indices = @transform_4, window_bounds = array<i64: 256, 256>}, {pipeline_mode = #tpu.pipeline_mode<synchronous>, transform_indices = @transform_5, window_bounds = array<i64: 1, 256>}, {transform_indices = @transform_6, window_bounds = array<i64: 1000, 256>}, {pipeline_mode = #tpu.pipeline_mode<synchronous>, transform_indices = @transform_7, window_bounds = array<i64: 2, 256>}]} {
    %eq3A = arith.constant 0 : i32
    %eq3A_0 = arith.cmpi eq, %arg0, %eq3A : i32
    %convert_element_type3A = arith.extui %eq3A_0 : i1 to i32
    %cond3A = arith.constant 0 : i32
    %cond3A_1 = arith.cmpi ne, %convert_element_type3A, %cond3A : i32
    scf.if %cond3A_1 {
      %broadcast_in_dim3A = arith.constant 0.000000e+00 : f32
      %broadcast_in_dim3A_55 = vector.broadcast %broadcast_in_dim3A : f32 to vector<2x256xf32>
      %swap3A_56 = arith.constant 0 : index
      %swap3A_57 = arith.constant 0 : index
      %swap3A_58 = vector.load %arg8[%swap3A_56, %swap3A_57] : memref<2x256xf32, #tpu.memory_space<vmem>>, vector<2x256xf32>
      tpu.vector_store %arg8[%swap3A_56, %swap3A_57], %broadcast_in_dim3A_55 {strides = array<i32>} : memref<2x256xf32, #tpu.memory_space<vmem>>, vector<2x256xf32>,
    } else {
    }
    %get3A = arith.constant 0 : index
    %get3A_2 = arith.constant 0 : index
    %get3A_3 = vector.load %arg2[%get3A, %get3A_2] : memref<2x256xf32, #tpu.memory_space<vmem>>, vector<2x256xf32>
    %slice3A = vector.extract_strided_slice %get3A_3 {offsets = [0, 0], sizes = [1, 256], strides = [1, 1]} : vector<2x256xf32> to vector<1x256xf32>
    %div3A = arith.constant 1.000000e+04 : f32
    %div3A_4 = vector.broadcast %div3A : f32 to vector<1x256xf32>
    %div3A_5 = arith.divf %slice3A, %div3A_4 : vector<1x256xf32>
    %slice3A_6 = vector.extract_strided_slice %get3A_3 {offsets = [1, 0], sizes = [1, 256], strides = [1, 1]} : vector<2x256xf32> to vector<1x256xf32>
    %div3A_7 = arith.constant 1.000000e+04 : f32
    %div3A_8 = vector.broadcast %div3A_7 : f32 to vector<1x256xf32>
    %div3A_9 = arith.divf %slice3A_6, %div3A_8 : vector<1x256xf32>
    %mul3A = arith.mulf %div3A_5, %div3A_5 : vector<1x256xf32>
    %sub3A = arith.subf %div3A_9, %mul3A : vector<1x256xf32>
    %add3A = arith.constant 9.99999974E-6 : f32
    %add3A_10 = vector.broadcast %add3A : f32 to vector<1x256xf32>
    %add3A_11 = arith.addf %sub3A, %add3A_10 : vector<1x256xf32>
    %rsqrt3A = math.rsqrt %add3A_11 : vector<1x256xf32>
    %get3A_12 = arith.constant 0 : index
    %get3A_13 = arith.constant 0 : index
    %get3A_14 = vector.load %arg1[%get3A_12, %get3A_13] : memref<1000x256xf32, #tpu.memory_space<vmem>>, vector<1000x256xf32>
    %sub3A_15 = vector.broadcast %div3A_5 : vector<1x256xf32> to vector<1000x256xf32>
    %sub3A_16 = arith.subf %get3A_14, %sub3A_15 : vector<1000x256xf32>
    %mul3A_17 = vector.broadcast %rsqrt3A : vector<1x256xf32> to vector<1000x256xf32>
    %mul3A_18 = arith.mulf %sub3A_16, %mul3A_17 : vector<1000x256xf32>
    %get3A_19 = arith.constant 0 : index
    %get3A_20 = arith.constant 0 : index
    %get3A_21 = vector.load %arg3[%get3A_19, %get3A_20] : memref<1x256xf32, #tpu.memory_space<vmem>>, vector<1x256xf32>
    %mul3A_22 = vector.broadcast %get3A_21 : vector<1x256xf32> to vector<1000x256xf32>
    %mul3A_23 = arith.mulf %mul3A_18, %mul3A_22 : vector<1000x256xf32>
    %get3A_24 = arith.constant 0 : index
    %get3A_25 = arith.constant 0 : index
    %get3A_26 = vector.load %arg4[%get3A_24, %get3A_25] : memref<1x256xf32, #tpu.memory_space<vmem>>, vector<1x256xf32>
    %add3A_27 = vector.broadcast %get3A_26 : vector<1x256xf32> to vector<1000x256xf32>
    %add3A_28 = arith.addf %mul3A_23, %add3A_27 : vector<1000x256xf32>
    %max3A = arith.constant 0.000000e+00 : f32
    %max3A_29 = vector.broadcast %max3A : f32 to vector<1000x256xf32>
    %max3A_30 = arith.maximumf %add3A_28, %max3A_29 : vector<1000x256xf32>
    %get3A_31 = arith.constant 0 : index
    %get3A_32 = arith.constant 0 : index
    %get3A_33 = vector.load %arg5[%get3A_31, %get3A_32] : memref<256x256xf32, #tpu.memory_space<vmem>>, vector<256x256xf32>
    %dot_general3A = arith.constant dense<0.000000e+00> : vector<1000x256xf32>
    %dot_general3A_34 = tpu.matmul %max3A_30, %get3A_33, %dot_general3A {dimension_numbers = #tpu.dot_dimension_numbers<[1], [0], [0], [1], [0, 0, 1, 1], [], []>, transpose_lhs_hint = false} : vector<1000x256xf32>, vector<256x256xf32>, vector<1000x256xf32> -> vector<1000x256xf32>
    %get3A_35 = arith.constant 0 : index
    %get3A_36 = arith.constant 0 : index
    %get3A_37 = vector.load %arg6[%get3A_35, %get3A_36] : memref<1x256xf32, #tpu.memory_space<vmem>>, vector<1x256xf32>
    %add3A_38 = vector.broadcast %get3A_37 : vector<1x256xf32> to vector<1000x256xf32>
    %add3A_39 = arith.addf %dot_general3A_34, %add3A_38 : vector<1000x256xf32>
    %swap3A = arith.constant 0 : index
    %swap3A_40 = arith.constant 0 : index
    %swap3A_41 = vector.load %arg7[%swap3A, %swap3A_40] : memref<1000x256xf32, #tpu.memory_space<vmem>>, vector<1000x256xf32>
    tpu.vector_store %arg7[%swap3A, %swap3A_40], %add3A_39 {strides = array<i32>} : memref<1000x256xf32, #tpu.memory_space<vmem>>, vector<1000x256xf32>,
    %get3A_42 = arith.constant 0 : index
    %get3A_43 = arith.constant 0 : index
    %get3A_44 = vector.load %arg8[%get3A_42, %get3A_43] : memref<2x256xf32, #tpu.memory_space<vmem>>, vector<2x256xf32>
    %reduce_sum3A = arith.constant dense<0.000000e+00> : vector<256xf32>
    %reduce_sum3A_45 = vector.multi_reduction <add>, %add3A_39, %reduce_sum3A [0] : vector<1000x256xf32> to vector<256xf32>
    %mul3A_46 = arith.mulf %add3A_39, %add3A_39 : vector<1000x256xf32>
    %reduce_sum3A_47 = arith.constant dense<0.000000e+00> : vector<256xf32>
    %reduce_sum3A_48 = vector.multi_reduction <add>, %mul3A_46, %reduce_sum3A_47 [0] : vector<1000x256xf32> to vector<256xf32>
    %stack3A = vector.shape_cast %reduce_sum3A_45 : vector<256xf32> to vector<1x256xf32>
    %stack3A_49 = vector.shape_cast %reduce_sum3A_48 : vector<256xf32> to vector<1x256xf32>
    %stack3A_50 = tpu.concatenate %stack3A, %stack3A_49 in 0 : vector<1x256xf32>, vector<1x256xf32> -> vector<2x256xf32>
    %add3A_51 = arith.addf %get3A_44, %stack3A_50 : vector<2x256xf32>
    %swap3A_52 = arith.constant 0 : index
    %swap3A_53 = arith.constant 0 : index
    %swap3A_54 = vector.load %arg8[%swap3A_52, %swap3A_53] : memref<2x256xf32, #tpu.memory_space<vmem>>, vector<2x256xf32>
    tpu.vector_store %arg8[%swap3A_52, %swap3A_53], %add3A_51 {strides = array<i32>} : memref<2x256xf32, #tpu.memory_space<vmem>>, vector<2x256xf32>,
    return
  }
  func.func @transform_0(%arg0: i32) -> (i32, i32) {
    %c0_i32 = arith.constant 0 : i32
    %c0_i32_0 = arith.constant 0 : i32
    return %arg0, %c0_i32 : i32, i32
  }
  func.func @transform_1(%arg0: i32) -> (i32, i32) {
    %c0_i32 = arith.constant 0 : i32
    %c0_i32_0 = arith.constant 0 : i32
    %c0_i32_1 = arith.constant 0 : i32
    return %c0_i32, %c0_i32_0 : i32, i32
  }
  func.func @transform_2(%arg0: i32) -> (i32, i32) {
    %c0_i32 = arith.constant 0 : i32
    %c0_i32_0 = arith.constant 0 : i32
    %c0_i32_1 = arith.constant 0 : i32
    return %c0_i32, %c0_i32_0 : i32, i32
  }
  func.func @transform_3(%arg0: i32) -> (i32, i32) {
    %c0_i32 = arith.constant 0 : i32
    %c0_i32_0 = arith.constant 0 : i32
    %c0_i32_1 = arith.constant 0 : i32
    return %c0_i32, %c0_i32_0 : i32, i32
  }
  func.func @transform_4(%arg0: i32) -> (i32, i32) {
    %c0_i32 = arith.constant 0 : i32
    %c0_i32_0 = arith.constant 0 : i32
    %c0_i32_1 = arith.constant 0 : i32
    return %c0_i32, %c0_i32_0 : i32, i32
  }
  func.func @transform_5(%arg0: i32) -> (i32, i32) {
    %c0_i32 = arith.constant 0 : i32
    %c0_i32_0 = arith.constant 0 : i32
    %c0_i32_1 = arith.constant 0 : i32
    return %c0_i32, %c0_i32_0 : i32, i32
  }
  func.func @transform_6(%arg0: i32) -> (i32, i32) {
    %c0_i32 = arith.constant 0 : i32
    %c0_i32_0 = arith.constant 0 : i32
    return %arg0, %c0_i32 : i32, i32
  }
  func.func @transform_7(%arg0: i32) -> (i32, i32) {
    %c0_i32 = arith.constant 0 : i32
    %c0_i32_0 = arith.constant 0 : i32
    %c0_i32_1 = arith.constant 0 : i32
    return %c0_i32, %c0_i32_0 : i32, i32
  }
}

module attributes {stable_mosaic.version = 14 : i64} {
  func.func @_k3_body(%arg0: i32, %arg1: memref<1000x256xf32, #tpu.memory_space<vmem>>, %arg2: memref<2x256xf32, #tpu.memory_space<vmem>>, %arg3: memref<1x256xf32, #tpu.memory_space<vmem>>, %arg4: memref<1x256xf32, #tpu.memory_space<vmem>>, %arg5: memref<1000x1xi32, #tpu.memory_space<vmem>>, %arg6: memref<2x1000x128xf32, #tpu.memory_space<vmem>>, %arg7: memref<64x256xf32, #tpu.memory_space<vmem>>) attributes {dimension_semantics = [#tpu.dimension_semantics<arbitrary>], iteration_bounds = array<i64: 10>, scalar_prefetch = 0 : i64, scratch_operands = 0 : i64, tpu.core_type = #tpu.core_type<tc>, window_params = [{transform_indices = @transform_0, window_bounds = array<i64: 1000, 256>}, {pipeline_mode = #tpu.pipeline_mode<synchronous>, transform_indices = @transform_1, window_bounds = array<i64: 2, 256>}, {pipeline_mode = #tpu.pipeline_mode<synchronous>, transform_indices = @transform_2, window_bounds = array<i64: 1, 256>}, {pipeline_mode = #tpu.pipeline_mode<synchronous>, transform_indices = @transform_3, window_bounds = array<i64: 1, 256>}, {transform_indices = @transform_4, window_bounds = array<i64: 1000, 1>}, {transform_indices = @transform_5, window_bounds = array<i64: 2, 1000, 128>}, {pipeline_mode = #tpu.pipeline_mode<synchronous>, transform_indices = @transform_6, window_bounds = array<i64: 64, 256>}]} {
    %eq3A = arith.constant 0 : i32
    %eq3A_0 = arith.cmpi eq, %arg0, %eq3A : i32
    %convert_element_type3A = arith.extui %eq3A_0 : i1 to i32
    %cond3A = arith.constant 0 : i32
    %cond3A_1 = arith.cmpi ne, %convert_element_type3A, %cond3A : i32
    scf.if %cond3A_1 {
      %broadcast_in_dim3A = arith.constant 0.000000e+00 : f32
      %broadcast_in_dim3A_59 = vector.broadcast %broadcast_in_dim3A : f32 to vector<64x256xf32>
      %swap3A_60 = arith.constant 0 : index
      %swap3A_61 = arith.constant 0 : index
      %swap3A_62 = vector.load %arg7[%swap3A_60, %swap3A_61] : memref<64x256xf32, #tpu.memory_space<vmem>>, vector<64x256xf32>
      tpu.vector_store %arg7[%swap3A_60, %swap3A_61], %broadcast_in_dim3A_59 {strides = array<i32>} : memref<64x256xf32, #tpu.memory_space<vmem>>, vector<64x256xf32>,
    } else {
    }
    %get3A = arith.constant 0 : index
    %get3A_2 = arith.constant 0 : index
    %get3A_3 = vector.load %arg2[%get3A, %get3A_2] : memref<2x256xf32, #tpu.memory_space<vmem>>, vector<2x256xf32>
    %slice3A = vector.extract_strided_slice %get3A_3 {offsets = [0, 0], sizes = [1, 256], strides = [1, 1]} : vector<2x256xf32> to vector<1x256xf32>
    %div3A = arith.constant 1.000000e+04 : f32
    %div3A_4 = vector.broadcast %div3A : f32 to vector<1x256xf32>
    %div3A_5 = arith.divf %slice3A, %div3A_4 : vector<1x256xf32>
    %slice3A_6 = vector.extract_strided_slice %get3A_3 {offsets = [1, 0], sizes = [1, 256], strides = [1, 1]} : vector<2x256xf32> to vector<1x256xf32>
    %div3A_7 = arith.constant 1.000000e+04 : f32
    %div3A_8 = vector.broadcast %div3A_7 : f32 to vector<1x256xf32>
    %div3A_9 = arith.divf %slice3A_6, %div3A_8 : vector<1x256xf32>
    %mul3A = arith.mulf %div3A_5, %div3A_5 : vector<1x256xf32>
    %sub3A = arith.subf %div3A_9, %mul3A : vector<1x256xf32>
    %add3A = arith.constant 9.99999974E-6 : f32
    %add3A_10 = vector.broadcast %add3A : f32 to vector<1x256xf32>
    %add3A_11 = arith.addf %sub3A, %add3A_10 : vector<1x256xf32>
    %rsqrt3A = math.rsqrt %add3A_11 : vector<1x256xf32>
    %get3A_12 = arith.constant 0 : index
    %get3A_13 = arith.constant 0 : index
    %get3A_14 = vector.load %arg1[%get3A_12, %get3A_13] : memref<1000x256xf32, #tpu.memory_space<vmem>>, vector<1000x256xf32>
    %sub3A_15 = vector.broadcast %div3A_5 : vector<1x256xf32> to vector<1000x256xf32>
    %sub3A_16 = arith.subf %get3A_14, %sub3A_15 : vector<1000x256xf32>
    %mul3A_17 = vector.broadcast %rsqrt3A : vector<1x256xf32> to vector<1000x256xf32>
    %mul3A_18 = arith.mulf %sub3A_16, %mul3A_17 : vector<1000x256xf32>
    %get3A_19 = arith.constant 0 : index
    %get3A_20 = arith.constant 0 : index
    %get3A_21 = vector.load %arg3[%get3A_19, %get3A_20] : memref<1x256xf32, #tpu.memory_space<vmem>>, vector<1x256xf32>
    %mul3A_22 = vector.broadcast %get3A_21 : vector<1x256xf32> to vector<1000x256xf32>
    %mul3A_23 = arith.mulf %mul3A_18, %mul3A_22 : vector<1000x256xf32>
    %get3A_24 = arith.constant 0 : index
    %get3A_25 = arith.constant 0 : index
    %get3A_26 = vector.load %arg4[%get3A_24, %get3A_25] : memref<1x256xf32, #tpu.memory_space<vmem>>, vector<1x256xf32>
    %add3A_27 = vector.broadcast %get3A_26 : vector<1x256xf32> to vector<1000x256xf32>
    %add3A_28 = arith.addf %mul3A_23, %add3A_27 : vector<1000x256xf32>
    %max3A = arith.constant 0.000000e+00 : f32
    %max3A_29 = vector.broadcast %max3A : f32 to vector<1000x256xf32>
    %max3A_30 = arith.maximumf %add3A_28, %max3A_29 : vector<1000x256xf32>
    %slice3A_31 = vector.extract_strided_slice %max3A_30 {offsets = [0, 0], sizes = [1000, 128], strides = [1, 1]} : vector<1000x256xf32> to vector<1000x128xf32>
    %swap3A = arith.constant 0 : index
    %swap3A_32 = arith.constant 0 : index
    %swap3A_33 = arith.constant 0 : index
    %swap3A_34 = vector.load %arg6[%swap3A, %swap3A_32, %swap3A_33] : memref<2x1000x128xf32, #tpu.memory_space<vmem>>, vector<1x1000x128xf32>
    %swap3A_35 = vector.shape_cast %swap3A_34 : vector<1x1000x128xf32> to vector<1000x128xf32>
    %swap3A_36 = vector.shape_cast %slice3A_31 : vector<1000x128xf32> to vector<1x1000x128xf32>
    tpu.vector_store %arg6[%swap3A, %swap3A_32, %swap3A_33], %swap3A_36 {strides = array<i32>} : memref<2x1000x128xf32, #tpu.memory_space<vmem>>, vector<1x1000x128xf32>,
    %slice3A_37 = vector.extract_strided_slice %max3A_30 {offsets = [0, 128], sizes = [1000, 128], strides = [1, 1]} : vector<1000x256xf32> to vector<1000x128xf32>
    %swap3A_38 = arith.constant 1 : index
    %swap3A_39 = arith.constant 0 : index
    %swap3A_40 = arith.constant 0 : index
    %swap3A_41 = vector.load %arg6[%swap3A_38, %swap3A_39, %swap3A_40] : memref<2x1000x128xf32, #tpu.memory_space<vmem>>, vector<1x1000x128xf32>
    %swap3A_42 = vector.shape_cast %swap3A_41 : vector<1x1000x128xf32> to vector<1000x128xf32>
    %swap3A_43 = vector.shape_cast %slice3A_37 : vector<1000x128xf32> to vector<1x1000x128xf32>
    tpu.vector_store %arg6[%swap3A_38, %swap3A_39, %swap3A_40], %swap3A_43 {strides = array<i32>} : memref<2x1000x128xf32, #tpu.memory_space<vmem>>, vector<1x1000x128xf32>,
    %iota3A = tpu.iota {dimensions = array<i32: 1>} : vector<1000x64xi32>
    %get3A_44 = arith.constant 0 : index
    %get3A_45 = arith.constant 0 : index
    %get3A_46 = vector.load %arg5[%get3A_44, %get3A_45] : memref<1000x1xi32, #tpu.memory_space<vmem>>, vector<1000x1xi32>
    %eq3A_47 = vector.broadcast %get3A_46 : vector<1000x1xi32> to vector<1000x64xi32>
    %eq3A_48 = arith.cmpi eq, %eq3A_47, %iota3A : vector<1000x64xi32>
    %convert_element_type3A_49 = arith.extui %eq3A_48 : vector<1000x64xi1> to vector<1000x64xi32>
    %convert_element_type3A_50 = arith.sitofp %convert_element_type3A_49 : vector<1000x64xi32> to vector<1000x64xf32>
    %get3A_51 = arith.constant 0 : index
    %get3A_52 = arith.constant 0 : index
    %get3A_53 = vector.load %arg7[%get3A_51, %get3A_52] : memref<64x256xf32, #tpu.memory_space<vmem>>, vector<64x256xf32>
    %dot_general3A = arith.constant dense<0.000000e+00> : vector<64x256xf32>
    %dot_general3A_54 = tpu.matmul %convert_element_type3A_50, %max3A_30, %dot_general3A {dimension_numbers = #tpu.dot_dimension_numbers<[0], [0], [1], [1], [0, 1, 1, 1], [], []>, precision = #tpu.contract_precision<fp32>, transpose_lhs_hint = false} : vector<1000x64xf32>, vector<1000x256xf32>, vector<64x256xf32> -> vector<64x256xf32>
    %add3A_55 = arith.addf %get3A_53, %dot_general3A_54 : vector<64x256xf32>
    %swap3A_56 = arith.constant 0 : index
    %swap3A_57 = arith.constant 0 : index
    %swap3A_58 = vector.load %arg7[%swap3A_56, %swap3A_57] : memref<64x256xf32, #tpu.memory_space<vmem>>, vector<64x256xf32>
    tpu.vector_store %arg7[%swap3A_56, %swap3A_57], %add3A_55 {strides = array<i32>} : memref<64x256xf32, #tpu.memory_space<vmem>>, vector<64x256xf32>,
    return
  }
  func.func @transform_0(%arg0: i32) -> (i32, i32) {
    %c0_i32 = arith.constant 0 : i32
    %c0_i32_0 = arith.constant 0 : i32
    return %arg0, %c0_i32 : i32, i32
  }
  func.func @transform_1(%arg0: i32) -> (i32, i32) {
    %c0_i32 = arith.constant 0 : i32
    %c0_i32_0 = arith.constant 0 : i32
    %c0_i32_1 = arith.constant 0 : i32
    return %c0_i32, %c0_i32_0 : i32, i32
  }
  func.func @transform_2(%arg0: i32) -> (i32, i32) {
    %c0_i32 = arith.constant 0 : i32
    %c0_i32_0 = arith.constant 0 : i32
    %c0_i32_1 = arith.constant 0 : i32
    return %c0_i32, %c0_i32_0 : i32, i32
  }
  func.func @transform_3(%arg0: i32) -> (i32, i32) {
    %c0_i32 = arith.constant 0 : i32
    %c0_i32_0 = arith.constant 0 : i32
    %c0_i32_1 = arith.constant 0 : i32
    return %c0_i32, %c0_i32_0 : i32, i32
  }
  func.func @transform_4(%arg0: i32) -> (i32, i32) {
    %c0_i32 = arith.constant 0 : i32
    %c0_i32_0 = arith.constant 0 : i32
    return %arg0, %c0_i32 : i32, i32
  }
  func.func @transform_5(%arg0: i32) -> (i32, i32, i32) {
    %c0_i32 = arith.constant 0 : i32
    %c0_i32_0 = arith.constant 0 : i32
    %c0_i32_1 = arith.constant 0 : i32
    return %c0_i32, %arg0, %c0_i32_0 : i32, i32, i32
  }
  func.func @transform_6(%arg0: i32) -> (i32, i32) {
    %c0_i32 = arith.constant 0 : i32
    %c0_i32_0 = arith.constant 0 : i32
    %c0_i32_1 = arith.constant 0 : i32
    return %c0_i32, %c0_i32_0 : i32, i32
  }
}

module attributes {stable_mosaic.version = 14 : i64} {
  func.func @_k3_body(%arg0: i32, %arg1: memref<1000x256xf32, #tpu.memory_space<vmem>>, %arg2: memref<2x256xf32, #tpu.memory_space<vmem>>, %arg3: memref<1x256xf32, #tpu.memory_space<vmem>>, %arg4: memref<1x256xf32, #tpu.memory_space<vmem>>, %arg5: memref<1000x1xi32, #tpu.memory_space<vmem>>, %arg6: memref<2x1000x128xf32, #tpu.memory_space<vmem>>, %arg7: memref<64x256xf32, #tpu.memory_space<vmem>>) attributes {dimension_semantics = [#tpu.dimension_semantics<arbitrary>], iteration_bounds = array<i64: 10>, scalar_prefetch = 0 : i64, scratch_operands = 0 : i64, tpu.core_type = #tpu.core_type<tc>, window_params = [{transform_indices = @transform_0, window_bounds = array<i64: 1000, 256>}, {pipeline_mode = #tpu.pipeline_mode<synchronous>, transform_indices = @transform_1, window_bounds = array<i64: 2, 256>}, {pipeline_mode = #tpu.pipeline_mode<synchronous>, transform_indices = @transform_2, window_bounds = array<i64: 1, 256>}, {pipeline_mode = #tpu.pipeline_mode<synchronous>, transform_indices = @transform_3, window_bounds = array<i64: 1, 256>}, {transform_indices = @transform_4, window_bounds = array<i64: 1000, 1>}, {transform_indices = @transform_5, window_bounds = array<i64: 2, 1000, 128>}, {pipeline_mode = #tpu.pipeline_mode<synchronous>, transform_indices = @transform_6, window_bounds = array<i64: 64, 256>}]} {
    %eq3A = arith.constant 0 : i32
    %eq3A_0 = arith.cmpi eq, %arg0, %eq3A : i32
    %convert_element_type3A = arith.extui %eq3A_0 : i1 to i32
    %cond3A = arith.constant 0 : i32
    %cond3A_1 = arith.cmpi ne, %convert_element_type3A, %cond3A : i32
    scf.if %cond3A_1 {
      %broadcast_in_dim3A = arith.constant 0.000000e+00 : f32
      %broadcast_in_dim3A_59 = vector.broadcast %broadcast_in_dim3A : f32 to vector<64x256xf32>
      %swap3A_60 = arith.constant 0 : index
      %swap3A_61 = arith.constant 0 : index
      %swap3A_62 = vector.load %arg7[%swap3A_60, %swap3A_61] : memref<64x256xf32, #tpu.memory_space<vmem>>, vector<64x256xf32>
      tpu.vector_store %arg7[%swap3A_60, %swap3A_61], %broadcast_in_dim3A_59 {strides = array<i32>} : memref<64x256xf32, #tpu.memory_space<vmem>>, vector<64x256xf32>,
    } else {
    }
    %get3A = arith.constant 0 : index
    %get3A_2 = arith.constant 0 : index
    %get3A_3 = vector.load %arg2[%get3A, %get3A_2] : memref<2x256xf32, #tpu.memory_space<vmem>>, vector<2x256xf32>
    %slice3A = vector.extract_strided_slice %get3A_3 {offsets = [0, 0], sizes = [1, 256], strides = [1, 1]} : vector<2x256xf32> to vector<1x256xf32>
    %div3A = arith.constant 1.000000e+04 : f32
    %div3A_4 = vector.broadcast %div3A : f32 to vector<1x256xf32>
    %div3A_5 = arith.divf %slice3A, %div3A_4 : vector<1x256xf32>
    %slice3A_6 = vector.extract_strided_slice %get3A_3 {offsets = [1, 0], sizes = [1, 256], strides = [1, 1]} : vector<2x256xf32> to vector<1x256xf32>
    %div3A_7 = arith.constant 1.000000e+04 : f32
    %div3A_8 = vector.broadcast %div3A_7 : f32 to vector<1x256xf32>
    %div3A_9 = arith.divf %slice3A_6, %div3A_8 : vector<1x256xf32>
    %mul3A = arith.mulf %div3A_5, %div3A_5 : vector<1x256xf32>
    %sub3A = arith.subf %div3A_9, %mul3A : vector<1x256xf32>
    %add3A = arith.constant 9.99999974E-6 : f32
    %add3A_10 = vector.broadcast %add3A : f32 to vector<1x256xf32>
    %add3A_11 = arith.addf %sub3A, %add3A_10 : vector<1x256xf32>
    %rsqrt3A = math.rsqrt %add3A_11 : vector<1x256xf32>
    %get3A_12 = arith.constant 0 : index
    %get3A_13 = arith.constant 0 : index
    %get3A_14 = vector.load %arg1[%get3A_12, %get3A_13] : memref<1000x256xf32, #tpu.memory_space<vmem>>, vector<1000x256xf32>
    %sub3A_15 = vector.broadcast %div3A_5 : vector<1x256xf32> to vector<1000x256xf32>
    %sub3A_16 = arith.subf %get3A_14, %sub3A_15 : vector<1000x256xf32>
    %mul3A_17 = vector.broadcast %rsqrt3A : vector<1x256xf32> to vector<1000x256xf32>
    %mul3A_18 = arith.mulf %sub3A_16, %mul3A_17 : vector<1000x256xf32>
    %get3A_19 = arith.constant 0 : index
    %get3A_20 = arith.constant 0 : index
    %get3A_21 = vector.load %arg3[%get3A_19, %get3A_20] : memref<1x256xf32, #tpu.memory_space<vmem>>, vector<1x256xf32>
    %mul3A_22 = vector.broadcast %get3A_21 : vector<1x256xf32> to vector<1000x256xf32>
    %mul3A_23 = arith.mulf %mul3A_18, %mul3A_22 : vector<1000x256xf32>
    %get3A_24 = arith.constant 0 : index
    %get3A_25 = arith.constant 0 : index
    %get3A_26 = vector.load %arg4[%get3A_24, %get3A_25] : memref<1x256xf32, #tpu.memory_space<vmem>>, vector<1x256xf32>
    %add3A_27 = vector.broadcast %get3A_26 : vector<1x256xf32> to vector<1000x256xf32>
    %add3A_28 = arith.addf %mul3A_23, %add3A_27 : vector<1000x256xf32>
    %max3A = arith.constant 0.000000e+00 : f32
    %max3A_29 = vector.broadcast %max3A : f32 to vector<1000x256xf32>
    %max3A_30 = arith.maximumf %add3A_28, %max3A_29 : vector<1000x256xf32>
    %slice3A_31 = vector.extract_strided_slice %max3A_30 {offsets = [0, 0], sizes = [1000, 128], strides = [1, 1]} : vector<1000x256xf32> to vector<1000x128xf32>
    %swap3A = arith.constant 0 : index
    %swap3A_32 = arith.constant 0 : index
    %swap3A_33 = arith.constant 0 : index
    %swap3A_34 = vector.load %arg6[%swap3A, %swap3A_32, %swap3A_33] : memref<2x1000x128xf32, #tpu.memory_space<vmem>>, vector<1x1000x128xf32>
    %swap3A_35 = vector.shape_cast %swap3A_34 : vector<1x1000x128xf32> to vector<1000x128xf32>
    %swap3A_36 = vector.shape_cast %slice3A_31 : vector<1000x128xf32> to vector<1x1000x128xf32>
    tpu.vector_store %arg6[%swap3A, %swap3A_32, %swap3A_33], %swap3A_36 {strides = array<i32>} : memref<2x1000x128xf32, #tpu.memory_space<vmem>>, vector<1x1000x128xf32>,
    %slice3A_37 = vector.extract_strided_slice %max3A_30 {offsets = [0, 128], sizes = [1000, 128], strides = [1, 1]} : vector<1000x256xf32> to vector<1000x128xf32>
    %swap3A_38 = arith.constant 1 : index
    %swap3A_39 = arith.constant 0 : index
    %swap3A_40 = arith.constant 0 : index
    %swap3A_41 = vector.load %arg6[%swap3A_38, %swap3A_39, %swap3A_40] : memref<2x1000x128xf32, #tpu.memory_space<vmem>>, vector<1x1000x128xf32>
    %swap3A_42 = vector.shape_cast %swap3A_41 : vector<1x1000x128xf32> to vector<1000x128xf32>
    %swap3A_43 = vector.shape_cast %slice3A_37 : vector<1000x128xf32> to vector<1x1000x128xf32>
    tpu.vector_store %arg6[%swap3A_38, %swap3A_39, %swap3A_40], %swap3A_43 {strides = array<i32>} : memref<2x1000x128xf32, #tpu.memory_space<vmem>>, vector<1x1000x128xf32>,
    %iota3A = tpu.iota {dimensions = array<i32: 1>} : vector<1000x64xi32>
    %get3A_44 = arith.constant 0 : index
    %get3A_45 = arith.constant 0 : index
    %get3A_46 = vector.load %arg5[%get3A_44, %get3A_45] : memref<1000x1xi32, #tpu.memory_space<vmem>>, vector<1000x1xi32>
    %eq3A_47 = vector.broadcast %get3A_46 : vector<1000x1xi32> to vector<1000x64xi32>
    %eq3A_48 = arith.cmpi eq, %eq3A_47, %iota3A : vector<1000x64xi32>
    %convert_element_type3A_49 = arith.extui %eq3A_48 : vector<1000x64xi1> to vector<1000x64xi32>
    %convert_element_type3A_50 = arith.sitofp %convert_element_type3A_49 : vector<1000x64xi32> to vector<1000x64xf32>
    %get3A_51 = arith.constant 0 : index
    %get3A_52 = arith.constant 0 : index
    %get3A_53 = vector.load %arg7[%get3A_51, %get3A_52] : memref<64x256xf32, #tpu.memory_space<vmem>>, vector<64x256xf32>
    %dot_general3A = arith.constant dense<0.000000e+00> : vector<64x256xf32>
    %dot_general3A_54 = tpu.matmul %convert_element_type3A_50, %max3A_30, %dot_general3A {dimension_numbers = #tpu.dot_dimension_numbers<[0], [0], [1], [1], [0, 1, 1, 1], [], []>, precision = #tpu.contract_precision<fp32>, transpose_lhs_hint = false} : vector<1000x64xf32>, vector<1000x256xf32>, vector<64x256xf32> -> vector<64x256xf32>
    %add3A_55 = arith.addf %get3A_53, %dot_general3A_54 : vector<64x256xf32>
    %swap3A_56 = arith.constant 0 : index
    %swap3A_57 = arith.constant 0 : index
    %swap3A_58 = vector.load %arg7[%swap3A_56, %swap3A_57] : memref<64x256xf32, #tpu.memory_space<vmem>>, vector<64x256xf32>
    tpu.vector_store %arg7[%swap3A_56, %swap3A_57], %add3A_55 {strides = array<i32>} : memref<64x256xf32, #tpu.memory_space<vmem>>, vector<64x256xf32>,
    return
  }
  func.func @transform_0(%arg0: i32) -> (i32, i32) {
    %c0_i32 = arith.constant 0 : i32
    %c0_i32_0 = arith.constant 0 : i32
    return %arg0, %c0_i32 : i32, i32
  }
  func.func @transform_1(%arg0: i32) -> (i32, i32) {
    %c0_i32 = arith.constant 0 : i32
    %c0_i32_0 = arith.constant 0 : i32
    %c0_i32_1 = arith.constant 0 : i32
    return %c0_i32, %c0_i32_0 : i32, i32
  }
  func.func @transform_2(%arg0: i32) -> (i32, i32) {
    %c0_i32 = arith.constant 0 : i32
    %c0_i32_0 = arith.constant 0 : i32
    %c0_i32_1 = arith.constant 0 : i32
    return %c0_i32, %c0_i32_0 : i32, i32
  }
  func.func @transform_3(%arg0: i32) -> (i32, i32) {
    %c0_i32 = arith.constant 0 : i32
    %c0_i32_0 = arith.constant 0 : i32
    %c0_i32_1 = arith.constant 0 : i32
    return %c0_i32, %c0_i32_0 : i32, i32
  }
  func.func @transform_4(%arg0: i32) -> (i32, i32) {
    %c0_i32 = arith.constant 0 : i32
    %c0_i32_0 = arith.constant 0 : i32
    return %arg0, %c0_i32 : i32, i32
  }
  func.func @transform_5(%arg0: i32) -> (i32, i32, i32) {
    %c0_i32 = arith.constant 0 : i32
    %c0_i32_0 = arith.constant 0 : i32
    %c0_i32_1 = arith.constant 0 : i32
    return %c0_i32, %arg0, %c0_i32_0 : i32, i32, i32
  }
  func.func @transform_6(%arg0: i32) -> (i32, i32) {
    %c0_i32 = arith.constant 0 : i32
    %c0_i32_0 = arith.constant 0 : i32
    %c0_i32_1 = arith.constant 0 : i32
    return %c0_i32, %c0_i32_0 : i32, i32
  }
}

module attributes {stable_mosaic.version = 14 : i64} {
  func.func @_kfin_body(%arg0: memref<64x256xf32, #tpu.memory_space<vmem>>, %arg1: memref<64x256xf32, #tpu.memory_space<vmem>>, %arg2: memref<64x256xf32, #tpu.memory_space<vmem>>, %arg3: memref<768x256xf32, #tpu.memory_space<vmem>>, %arg4: memref<1x256xf32, #tpu.memory_space<vmem>>, %arg5: memref<256x1xf32, #tpu.memory_space<vmem>>, %arg6: memref<1x1xf32, #tpu.memory_space<smem>>, %arg7: memref<64x1xf32, #tpu.memory_space<vmem>>) attributes {dimension_semantics = [], scalar_prefetch = 0 : i64, scratch_operands = 0 : i64, tpu.core_type = #tpu.core_type<tc>} {
    %get3A = arith.constant 0 : index
    %get3A_0 = arith.constant 0 : index
    %get3A_1 = vector.load %arg0[%get3A, %get3A_0] : memref<64x256xf32, #tpu.memory_space<vmem>>, vector<64x256xf32>
    %get3A_2 = arith.constant 0 : index
    %get3A_3 = arith.constant 0 : index
    %get3A_4 = vector.load %arg1[%get3A_2, %get3A_3] : memref<64x256xf32, #tpu.memory_space<vmem>>, vector<64x256xf32>
    %get3A_5 = arith.constant 0 : index
    %get3A_6 = arith.constant 0 : index
    %get3A_7 = vector.load %arg2[%get3A_5, %get3A_6] : memref<64x256xf32, #tpu.memory_space<vmem>>, vector<64x256xf32>
    %concatenate3A = tpu.concatenate %get3A_1, %get3A_4, %get3A_7 in 1 : vector<64x256xf32>, vector<64x256xf32>, vector<64x256xf32> -> vector<64x768xf32>
    %get3A_8 = arith.constant 0 : index
    %get3A_9 = arith.constant 0 : index
    %get3A_10 = vector.load %arg3[%get3A_8, %get3A_9] : memref<768x256xf32, #tpu.memory_space<vmem>>, vector<768x256xf32>
    %dot_general3A = arith.constant dense<0.000000e+00> : vector<64x256xf32>
    %dot_general3A_11 = tpu.matmul %concatenate3A, %get3A_10, %dot_general3A {dimension_numbers = #tpu.dot_dimension_numbers<[1], [0], [0], [1], [0, 0, 1, 1], [], []>, transpose_lhs_hint = false} : vector<64x768xf32>, vector<768x256xf32>, vector<64x256xf32> -> vector<64x256xf32>
    %get3A_12 = arith.constant 0 : index
    %get3A_13 = arith.constant 0 : index
    %get3A_14 = vector.load %arg4[%get3A_12, %get3A_13] : memref<1x256xf32, #tpu.memory_space<vmem>>, vector<1x256xf32>
    %add3A = vector.broadcast %get3A_14 : vector<1x256xf32> to vector<64x256xf32>
    %add3A_15 = arith.addf %dot_general3A_11, %add3A : vector<64x256xf32>
    %max3A = arith.constant 0.000000e+00 : f32
    %max3A_16 = vector.broadcast %max3A : f32 to vector<64x256xf32>
    %max3A_17 = arith.maximumf %add3A_15, %max3A_16 : vector<64x256xf32>
    %get3A_18 = arith.constant 0 : index
    %get3A_19 = arith.constant 0 : index
    %get3A_20 = vector.load %arg5[%get3A_18, %get3A_19] : memref<256x1xf32, #tpu.memory_space<vmem>>, vector<256x1xf32>
    %dot_general3A_21 = arith.constant dense<0.000000e+00> : vector<64x1xf32>
    %dot_general3A_22 = tpu.matmul %max3A_17, %get3A_20, %dot_general3A_21 {dimension_numbers = #tpu.dot_dimension_numbers<[1], [0], [0], [1], [0, 0, 1, 1], [], []>, transpose_lhs_hint = false} : vector<64x256xf32>, vector<256x1xf32>, vector<64x1xf32> -> vector<64x1xf32>
    %get3A_23 = arith.constant 0 : index
    %get3A_24 = arith.constant 0 : index
    %get3A_25 = memref.load %arg6[%get3A_23, %get3A_24] : memref<1x1xf32, #tpu.memory_space<smem>>
    %add3A_26 = vector.broadcast %get3A_25 : f32 to vector<64x1xf32>
    %add3A_27 = arith.addf %dot_general3A_22, %add3A_26 : vector<64x1xf32>
    %swap3A = arith.constant 0 : index
    %swap3A_28 = arith.constant 0 : index
    %swap3A_29 = vector.load %arg7[%swap3A, %swap3A_28] : memref<64x1xf32, #tpu.memory_space<vmem>>, vector<64x1xf32>
    tpu.vector_store %arg7[%swap3A, %swap3A_28], %add3A_27 {strides = array<i32>} : memref<64x1xf32, #tpu.memory_space<vmem>>, vector<64x1xf32>,
    return
  }
}

</mosaic_0001>

<sc_bundles>
// kernel: kernel.15.cloned.1.call-start
scs
__scs_entry_jumppad:
0x0: {  	(pc) =	sbr.rel $0x88, $3  }
0x1: {  	(tag) =	ssettag $0x0;
	lr =	simm.s32 $0x1  }
0x2: {  	[smem:$0x3F91] =	sst lr;
	_ =	strace $0xD0000000  }
0x3: {  	_ = 	snop  }
0x4: {  	_ = 	snop  }
0x5: {  	_ = 	snop  }
0x6: {  	_ = 	snop  }
0x7: {  	_ = 	snop  }
__scs_overlays_trampoline_lowered:
0x8: {  	[smem:$0x3FA0] =	sst s0  }
0x9: {  	[smem:$0x3FA1] =	sst s1  }
0xa: {  	[smem:$0x3FA2] =	sst s2  }
0xb: {  	[smem:$0x3FA3] =	sst s3  }
0xc: {  	[smem:$0x3FA4] =	sst s4  }
0xd: {  	[smem:$0x3FA5] =	sst s5  }
0xe: {  	[smem:$0x3FA6] =	sst s6  }
0xf: {  	[smem:$0x3FA7] =	sst s7  }
0x10: {  	[smem:$0x3FA8] =	sst s8  }
0x11: {  	[smem:$0x3FA9] =	sst s9;
	s0 =	simm.s32 @!p0 $0x0  }
0x12: {  	s1 =	sld [smem:$0x3F8F];
	s0 =	simm.s32 @p0 $0x1  }
0x13: {  	[smem:$0x3FAA] =	sst s0;
	s0 =	simm.s32 @!p1 $0x0  }
0x14: {  	s2 =	sld [smem:$0x3F8E];
	s0 =	simm.s32 @p1 $0x1  }
0x15: {  	[smem:$0x3FAB] =	sst s0;
	s0 =	simm.s32 @!p2 $0x0  }
0x16: {  	s3 =	sld [smem:$0x3FDB];
	s0 =	simm.s32 @p2 $0x1  }
0x17: {  	s4 =	simm.s32 $0x1BF5;
	[smem:$0x3FAD] =	sst s0  }
0x18: {  	s0 =	sld [smem:$0x3F90];
	_ =	swait.ge [sflag:s4], $0x0  }
0x19: {  	s7 =	sld [smem:$0x3F91]  }
0x1a: {  	s8 =	sadd.s32 $0xFFFFE003, lr  }
0x1b: {  	s9 =	sadd.s32 $0xFFFFFEF7, lr;
	s5 =	simm.s32 $0xFFFFFFFF;
	p2 =	slt.u32 s8, $0xFFFFF086  }
0x1c: {  	p1 =	slt.u32 s9, $0xF7A;
	s5 =	simm.s32 @!p2 $0x0  }
0x1d: {  	s5 =	simm.s32 @p1 $0x1;
	p0 =	seq.s32 s7, s2  }
0x1e: {  	s7 =	smul.u32 @!p0 $0xF7A, s2;
	p2 =	seq.s32 @!p0 s5, $0x0  }
0x1f: {  	s9 =	smul.u32 $0xF7A, s1;
	s8 =	simm.s32 @!p0 $0x1BF5;
	p2 =	por !p2, p0  }
0x20: {  	[sflag:s8] =	ssyncset.s32 @!p0 $0xFFFFF086;
	s6 =	sadd.s32 @!p0 s3, s7;
	s7 =	simm.s32 @!p0 $0x108  }
0x21: {  	s3 =	sadd.s32 s3, s9;
	s6 =	sadd.s32 @!p0 $0x88, s6;
	s7 =	simm.s32 @p2 $0x1082  }
0x22: {  	[simem:s7], [sflag:s8] =	dma.local @!p0 [hbm:s6], $0xF7A  }
0x23: {  	s9 =	sor.u32 $0xD0000000, s2;
	s6 =	simm.s32 $0x108;
	_ =	swait.ge @!p0 [sflag:s8], $0x0  }
0x24: {  	s3 =	sadd.s32 $0x88, s3;
	s6 =	simm.s32 @!p1 $0x1082;
	[sflag:s4] =	ssyncset.s32 $0xFFFFF086  }
0x25: {  	[simem:s6], [sflag:s4] =	dma.local [hbm:s3], $0xF7A  }
0x26: {  	[smem:$0x3F91] =	sst s1;
	(tag) =	ssettag s2;
	_ =	strace s9  }
0x27: {  	s1 =	sld [smem:$0x3FA1]  }
0x28: {  	s2 =	sld [smem:$0x3FA2]  }
0x29: {  	s4 =	sld [smem:$0x3FA4]  }
0x2a: {  	p0 =	seq.s32 s5, $0x0;
	s5 =	sld [smem:$0x3FA5]  }
0x2b: {  	s6 =	sld [smem:$0x3FA6]  }
0x2c: {  	s7 =	sld [smem:$0x3FA7]  }
0x2d: {  	s3 =	simm.s32 $0x108;
	s8 =	sld [smem:$0x3FA8]  }
0x2e: {  	s3 =	simm.s32 @!p0 $0x1082;
	s9 =	sld [smem:$0x3FA9]  }
0x2f: {  	lr =	sadd.s32 s0, s3;
	s0 =	sld [smem:$0x3FA0]  }
0x30: {  	s3 =	sld [smem:$0x3FA3]  }
0x31: {  	[smem:$0x3FAC] =	sst s10  }
0x32: {  	s10 =	sld [smem:$0x3FAA];
	_ =	sdelay $0x3  }
0x33: {  	p0 =	seq.s32 s10, $0x1;
	s10 =	sld [smem:$0x3FAC];
	_ =	sdelay $0x3  }
0x34: {  	[smem:$0x3FAC] =	sst s10  }
0x35: {  	s10 =	sld [smem:$0x3FAB];
	_ =	sdelay $0x3  }
0x36: {  	p1 =	seq.s32 s10, $0x1;
	s10 =	sld [smem:$0x3FAC];
	_ =	sdelay $0x3  }
0x37: {  	[smem:$0x3FAC] =	sst s10  }
0x38: {  	s10 =	sld [smem:$0x3FAD]  }
0x39: {  	_ = 	snop;
	(pc) =	sbr.ind lr, $3  }
0x3a: {  	_ = 	snop  }
0x3b: {  	_ = 	snop  }
0x3c: {  	p2 =	seq.s32 s10, $0x1;
	s10 =	sld [smem:$0x3FAC]  }
0x3d: {  	_ =	shalt  }
0x3e: {  	_ =	shalt  }
0x3f: {  	_ =	shalt  }
0x40: {  	_ =	shalt  }
0x41: {  	_ =	shalt  }
0x42: {  	_ =	shalt  }
0x43: {  	_ =	shalt  }
0x44: {  	_ =	shalt  }
0x45: {  	_ =	shalt  }
0x46: {  	_ =	shalt  }
0x47: {  	_ =	shalt  }
0x48: {  	_ =	shalt  }
0x49: {  	_ =	shalt  }
0x4a: {  	_ =	shalt  }
0x4b: {  	_ =	shalt  }
0x4c: {  	_ =	shalt  }
0x4d: {  	_ =	shalt  }
0x4e: {  	_ =	shalt  }
0x4f: {  	_ =	shalt  }
0x50: {  	_ =	shalt  }
0x51: {  	_ =	shalt  }
0x52: {  	_ =	shalt  }
0x53: {  	_ =	shalt  }
0x54: {  	_ =	shalt  }
0x55: {  	_ =	shalt  }
0x56: {  	_ =	shalt  }
0x57: {  	_ =	shalt  }
0x58: {  	_ =	shalt  }
0x59: {  	_ =	shalt  }
0x5a: {  	_ =	shalt  }
0x5b: {  	_ =	shalt  }
0x5c: {  	_ =	shalt  }
0x5d: {  	_ =	shalt  }
0x5e: {  	_ =	shalt  }
0x5f: {  	_ =	shalt  }
0x60: {  	_ =	shalt  }
0x61: {  	_ =	shalt  }
0x62: {  	_ =	shalt  }
0x63: {  	_ =	shalt  }
0x64: {  	_ =	shalt  }
0x65: {  	_ =	shalt  }
0x66: {  	_ =	shalt  }
0x67: {  	_ =	shalt  }
0x68: {  	_ =	shalt  }
0x69: {  	_ =	shalt  }
0x6a: {  	_ =	shalt  }
0x6b: {  	_ =	shalt  }
0x6c: {  	_ =	shalt  }
0x6d: {  	_ =	shalt  }
0x6e: {  	_ =	shalt  }
0x6f: {  	_ =	shalt  }
0x70: {  	_ =	shalt  }
0x71: {  	_ =	shalt  }
0x72: {  	_ =	shalt  }
0x73: {  	_ =	shalt  }
0x74: {  	_ =	shalt  }
0x75: {  	_ =	shalt  }
0x76: {  	_ =	shalt  }
0x77: {  	_ =	shalt  }
0x78: {  	_ =	shalt  }
0x79: {  	_ =	shalt  }
0x7a: {  	_ =	shalt  }
0x7b: {  	_ =	shalt  }
0x7c: {  	_ =	shalt  }
0x7d: {  	_ =	shalt  }
0x7e: {  	_ =	shalt  }
0x7f: {  	_ =	shalt  }
0x80: {  	_ =	shalt  }
0x81: {  	_ =	shalt  }
0x82: {  	_ =	shalt  }
0x83: {  	_ =	shalt  }
0x84: {  	_ =	shalt  }
0x85: {  	_ =	shalt  }
0x86: {  	_ =	shalt  }
0x87: {  	_ =	shalt  }
.Lfunc_end0:
.L_simem_size_0:
called_computation_lowered:
.L_overlay_start_0:
0x88: {  	s2 =	sld [smem:$0x3FD9]  }
0x89: {  	s3 =	sld [smem:$0x3FFE];
	_ =	sdelay $0x1  }
0x8a: {  	s1 =	srdreg.scid  }
0x8b: {  	s0 =	sand.u32 $0x1, s1  }
0x8c: {  	s16 =	sshll.u32 s0, $0xA;
	s2 =	sadd.s32 s3, s2  }
0x8d: {  	s2 =	sadd.s32 s2, s16  }
0x8e: {  	[smem:$0x3FB8] =	sst s2  }
0x8f: {  	_ = 	snop  }
0x90: {  	(tm) =	ssettm $0x1  }
0x91: {  	s17 =	sld [smem:$0x3FFB];
	_ =	sdelay $0x3  }
0x92: {  	_ =	strace s17  }
0x93: {  	s2 =	sld [smem:$0x3FFC];
	_ =	sdelay $0x3  }
0x94: {  	_ =	strace s2  }
0x95: {  	s2 =	sld [smem:$0x3FFD];
	_ =	sdelay $0x3  }
0x96: {  	_ =	strace s2  }
0x97: {  	_ =	strace $0x8FFFFFFF  }
0x98: {  	s18 =	sld [smem:$0x3FDB];
	_ =	sdelay $0x1  }
0x99: {  	s19 =	simm.s32 $_scs_section_size  }
0x9a: {  	s4 =	simm.s32 $_size__tile_overlayer_lowered;
	s5 =	simm.s32 $_tile_overlayer_lowered  }
0x9b: {  	s22 =	simm.s32 $0x1BFF;
	s21 =	sshll.u32 s5, $0x1;
	s2 =	sadd.s32 s19, s18  }
0x9c: {  	s6 =	simm.s32 $0x0;
	s20 =	sshll.u32 s4, $0x1;
	s4 =	sadd.s32 s21, s2  }
0x9d: {  	[timem:s6], [sflag:s22] =	dma.local [hbm:s4], s20  }
0x9e: {  	_ =	swait.ge [sflag:s22], s20  }
0x9f: {  	s3 =	ssub.s32 $0x0, s20;
	[sflag:s22] =	ssyncset.done $0x0  }
0xa0: {  	[sflag:s22] =	ssyncadd.s32 s3;
	_ =	sdelay $0x1  }
0xa1: {  	s23 =	simm.s32 $0x1B8B  }
0xa2: {  	_ =	swait.ge [sflag:s23], $0x1  }
0xa3: {  	[sflag:s23] =	ssyncset.done $0x0  }
0xa4: {  	s25 =	simm.s32 $0x1B8E;
	s24 =	sld [smem:$0x3FFE];
	[sflag:s23] =	ssyncadd.s32 $0xFFFFFFFF  }
0xa5: {  	s26 =	simm.s32 $execute0_lowered;
	[smem:$0x3FD2] =	sst s25  }
0xa6: {  	s4 =	sshll.u32 s26, $0x1;
	_ =	strace $0x80000046;
	[dreg:$0x1] =	wrdreg $0xFFFFFFFF  }
0xa7: {  	s28 =	simm.s32 $_size_execute0_lowered;
	s2 =	sadd.s32 s2, s4;
	[dreg:$0x0] =	wrdreg $0x0  }
0xa8: {  	s4 =	sshll.u32 s28, $0x1;
	[dreg:$0x2] =	wrdreg s2  }
0xa9: {  	[dreg:$0x3] =	wrdreg s4  }
0xaa: {  	[dreg:$0x4] =	wrdreg $0xC0  }
0xab: {  	_ =	task [dreg:s6], $0x5FFFF  }
0xac: {  	[dreg:$0x1] =	wrdreg $0xFFFFFFFF  }
0xad: {  	[dreg:$0x0] =	wrdreg $0x60  }
0xae: {  	[dreg:$0x2] =	wrdreg s24  }
0xaf: {  	[dreg:$0x3] =	wrdreg $0x52000  }
0xb0: {  	[dreg:$0x4] =	wrdreg $0x9  }
0xb1: {  	_ =	task.clear_ibuf [dreg:s6], $0x5FFFF;
	_ =	strace $0x90000046  }
0xb2: {  	s29 =	simm.s32 $0x9;
	_ =	strace $0x80000048  }
0xb3: {  	_ =	swait.ge [sflag:s29], $0x1  }
0xb4: {  	[sflag:s29] =	ssyncadd.s32 $0xFFFFFFFF  }
0xb5: {  	_ =	strace $0x90000048  }
0xb6: {  	_ =	sfence  }
0xb7: {  	s30 =	sld [smem:$0x0];
	_ =	sdelay $0x2  }
0xb8: {  	s31 =	sshll.u32 s1, $0xD;
	s1 =	sshrl.u32 s1, $0x2  }
0xb9: {  	s3 =	sand.u32 $0x4000, s31;
	s1 =	sadd.s32 s1, s30  }
0xba: {  	s0 =	sor.u32 s3, s0;
	s1 =	sshll.u32 s1, $0x11  }
0xbb: {  	s0 =	sor.u32 s1, s0  }
0xbc: {  	s0 =	sadd.s32 $0x8F2B, s0  }
0xbd: {  	[sflag:s0] =	ssyncadd.remote.s32 $0x1  }
0xbe: {  	_ =	sfence.sel $0xFFFF  }
0xbf: {  	[dreg:$0x0] =	wrdreg $0xFFFFFFFF;
	(pc) =	sbr.abs _section_cstart, $3  }
0xc0: {  	[dreg:$0x1] =	wrdreg $0xFFFFFFFF  }
0xc1: {  	_ =	task.clear_ibuf [dreg:s6], $0x2FFFF;
	_ =	strace $0x9FFFFFFF  }
0xc2: {  	(tm) =	ssettm $0x7FFFFFFF  }
0xc3: {  	_ =	shalt  }
tec
execute0_lowered:
.L_overlay_start_1:
0x0: {  	(tag) =	ssettag $0x1  }
0x1: {  	s0 =	rddreg [dreg:$0x0]  }
0x2: {  	s1 =	rddreg [dreg:$0x1];
	s3 =	simm.s32 $0x0  }
0x3: {  	s19 =	stileid.u32;
	s6 =	srdreg.scid;
	s28 =	simm.s32 $0x2  }
0x4: {  	s29 =	simm.s32 $0x0;
	[smem:$0x7FF] =	sst s3;
	s2 =	smul.u32 $0x2700, s19  }
0x5: {  	s4 =	sadd.s32 $0x15600, s0;
	s5 =	sadd.s32 $0xB800, s0;
	s16 =	smul.u32 $0x4E000, s19  }
0x6: {  	s14 =	sadd.s32 $0x6800, s0;
	s7 =	sand.u32 $0x1, s6;
	s12 =	smul.u32 $0x2710, s19  }
0x7: {  	s13 =	sadd.s32 $0x8AA00, s0;
	s26 =	smul.u32 $0x4E2, s19;
	p0 =	seq.s32 s19, $0xF  }
0x8: {  	_ =	strace $0x80000047;
	s9 =	ssub.s32 $0x2, s7;
	s10 =	smul.u32 $0x27100, s7  }
0x9: {  	s20 =	smul.u32 $0x138800, s7;
	s8 =	sadd.s32 s2, s0;
	s11 =	sshrl.u32 s9, $0x1  }
0xa: {  	s6 =	sshrl.u32 s16, $0x2;
	s0 =	sadd.s32 $0x88100, s0;
	s22 =	sshrl.u32 s12, $0x3  }
0xb: {  	s15 =	ssub.s32 s9, s11;
	s18 =	sadd.s32 s6, s1;
	s17 =	sadd.s32 $0x63800, s8  }
0xc: {  	s16 =	sadd.s32 s12, s10;
	[dreg:$0x4] =	wrdreg s0;
	s23 =	sshrl.u32 s20, $0x3  }
0xd: {  	s9 =	sadd.s32 s14, s22;
	s24 =	sadd.s32 s2, s10;
	s14 =	sadd.s32 s26, s14  }
0xe: {  	s0 =	sshll.u32 @!p0 s19, $0x6;
	s19 =	simm.s32 $0x3;
	s20 =	simm.s32 $0x100  }
0xf: {  	s22 =	simm.s32 $0x200;
	s26 =	simm.s32 $0x1;
	[dreg:$0x3] =	wrdreg s17  }
0x10: {  	s17 =	sadd.s32 $0x124800, s1;
	s21 =	sshrl.u32 s16, $0x3;
	s25 =	sadd.s32 s13, s23  }
0x11: {  	s10 =	sadd.s32 s13, s24;
	s12 =	smax.u32 s15, $0x1;
	s13 =	sadd.s32 $0xA0, s16  }
0x12: {  	s30 =	sadd.s32 $0x50, s16;
	s18 =	sshrl.u32 @!p0 s18, $0x3;
	s23 =	simm.s32 $0x80  }
0x13: {  	s24 =	simm.s32 $0x180;
	s8 =	sadd.s32 s5, s21;
	s11 =	sadd.s32 $0x24900, s25  }
0x14: {  	s31 =	sshrl.u32 s30, $0x3;
	s16 =	sshrl.u32 @p0 s17, $0x3;
	s17 =	sor.u32 @!p0 $0x1C03, s0  }
0x15: {  	s21 =	simm.s32 $0x50;
	s25 =	simm.s32 $0x2A00;
	s15 =	sadd.s32 s31, s5  }
.LBB2_1:
0x16: {  	s0 =	simm.s32 @p0 $0x1FC3;
	s2 =	rddreg [dreg:$0x4]  }
0x17: {  	[spmem:s16], [sflag:s0] =	dma.local @p0 [hbm:s2], $0x2800  }
0x18: {  	s0 =	simm.s32 @p0 $0x3  }
0x19: {  	_ =	swait.ge @p0 [sflag:s0], $0x2800  }
0x1a: {  	[sflag:s0] =	ssyncset.done @p0 $0x0  }
0x1b: {  	[sflag:s0] =	ssyncadd.s32 @p0 $0xFFFFD800;
	s0 =	rddreg [dreg:$0x3]  }
0x1c: {  	[spmem:s18], [sflag:s17] =	dma.local @!p0 [hbm:s0], $0x2700  }
0x1d: {  	s0 =	simm.s32 @!p0 $0x3  }
0x1e: {  	_ =	swait.ge @!p0 [sflag:s0], $0x2700  }
0x1f: {  	[sflag:s0] =	ssyncset.done @!p0 $0x0  }
0x20: {  	[sflag:s0] =	ssyncadd.s32 @!p0 $0xFFFFD900  }
0x21: {  	[bflag:$0x0] =	sbarrier.arrive $0xFFFF  }
0x22: {  	[tilespmem:s3], [sflag:$0x3] =	stream.linear.gather [hbm4b:s8+s3], $0x50, $0x38;
	[tilespmem:$0x18A80] =	vst v63  }
0x23: {  	_ =	swait.ge [sflag:s19], $0x50  }
0x24: {  	[sflag:s19] =	ssyncset.done $0x0  }
0x25: {  	[sflag:s19] =	ssyncadd.s32 $0xFFFFFFB0  }
0x26: {  	[tilespmem:s20], [sflag:$0x3] =	stream.linear.gather [hbm4b:s9+s3], $0x50, $0x38;
	[tilespmem:$0x18A80] =	vst v63  }
0x27: {  	_ =	swait.ge [sflag:s19], $0x50  }
0x28: {  	[sflag:s19] =	ssyncset.done $0x0  }
0x29: {  	[sflag:s19] =	ssyncadd.s32 $0xFFFFFFB0  }
0x2a: {  	[tilespmem:s22], [sflag:$0x1] =	stream.indirect.gather [hbm4b:s4+s21], $0x80, s3, s21, $0xb8;
	[tilespmem:$0x18A80] =	vst v63  }
0x2b: {  	s2 =	sadd.s32 $0x0, s15  }
0x2c: {  	[tilespmem:s23], [sflag:$0x3] =	stream.linear.gather [hbm4b:s2+s3], $0x50, $0x38;
	[tilespmem:$0x18A80] =	vst v63  }
0x2d: {  	_ =	swait.ge [sflag:s19], $0x50  }
0x2e: {  	s0 =	sadd.s32 $0x0, s14;
	[sflag:s19] =	ssyncset.done $0x0  }
0x2f: {  	s6 =	sadd.s32 $0xA, s0;
	[sflag:s19] =	ssyncadd.s32 $0xFFFFFFB0  }
0x30: {  	[tilespmem:s24], [sflag:$0x3] =	stream.linear.gather [hbm4b:s6+s3], $0x50, $0x38;
	[tilespmem:$0x18A80] =	vst v63  }
0x31: {  	_ =	swait.ge [sflag:s19], $0x50  }
0x32: {  	[sflag:s19] =	ssyncset.done $0x0  }
0x33: {  	[sflag:s19] =	ssyncadd.s32 $0xFFFFFFB0  }
0x34: {  	[tilespmem:s25], [sflag:$0x2] =	stream.indirect.gather [hbm4b:s4+s21], $0x80, s23, s21, $0xb8;
	[tilespmem:$0x18A80] =	vst v63  }
0x35: {  	_ =	swait.ge [sflag:s26], $0x2800  }
0x36: {  	[sflag:s26] =	ssyncset.done $0x0  }
0x37: {  	[sflag:s26] =	ssyncadd.s32 $0xFFFFD800  }
0x38: {  	[spmem:s1] =	stream.indirect.scatter.add.f32 [tilespmem:s22], [sflag:$0x3], $0x80, s20, s21, $0xb8;
	[tilespmem:$0x18A80] =	vst v63  }
0x39: {  	_ =	swait.ge [sflag:s19], $0x2800  }
0x3a: {  	s7 =	sshrl.u32 s13, $0x3;
	[sflag:s19] =	ssyncset.done $0x0  }
0x3b: {  	s2 =	sadd.s32 s5, s7;
	[sflag:s19] =	ssyncadd.s32 $0xFFFFD800  }
0x3c: {  	[tilespmem:s3], [sflag:$0x3] =	stream.linear.gather [hbm4b:s2+s3], $0x50, $0x38;
	[tilespmem:$0x18A80] =	vst v63  }
0x3d: {  	_ =	swait.ge [sflag:s19], $0x50  }
0x3e: {  	[sflag:s19] =	ssyncset.done $0x0  }
0x3f: {  	s0 =	sadd.s32 $0x14, s0;
	[sflag:s19] =	ssyncadd.s32 $0xFFFFFFB0  }
0x40: {  	[tilespmem:s20], [sflag:$0x3] =	stream.linear.gather [hbm4b:s0+s3], $0x50, $0x38;
	[tilespmem:$0x18A80] =	vst v63  }
0x41: {  	_ =	swait.ge [sflag:s19], $0x50  }
0x42: {  	[sflag:s19] =	ssyncset.done $0x0  }
0x43: {  	[sflag:s19] =	ssyncadd.s32 $0xFFFFFFB0  }
0x44: {  	[tilespmem:s22], [sflag:$0x1] =	stream.indirect.gather [hbm4b:s4+s21], $0x80, s3, s21, $0xb8;
	[tilespmem:$0x18A80] =	vst v63  }
0x45: {  	_ =	swait.ge [sflag:s28], $0x2800  }
0x46: {  	[sflag:s28] =	ssyncset.done $0x0  }
0x47: {  	[sflag:s28] =	ssyncadd.s32 $0xFFFFD800  }
0x48: {  	[spmem:s1] =	stream.indirect.scatter.add.f32 [tilespmem:s25], [sflag:$0x3], $0x80, s24, s21, $0xb8;
	[tilespmem:$0x18A80] =	vst v63  }
0x49: {  	s31 =	simm.s32 $0x14;
	_ =	swait.ge [sflag:s19], $0x2800  }
0x4a: {  	s30 =	sadd.s32 $0xA0, s13;
	s0 =	simm.s32 $0x28;
	[sflag:s19] =	ssyncset.done $0x0  }
.LBB2_2:
0x4b: {  	s6 =	sadd.s32 s31, s15  }
0x4c: {  	[sflag:s19] =	ssyncadd.s32 $0xFFFFD800;
	s7 =	smov.u32 s0;
	s2 =	sadd.s32 $0x14, s0  }
0x4d: {  	[tilespmem:s23], [sflag:$0x3] =	stream.linear.gather [hbm4b:s6+s3], $0x50, $0x38;
	[tilespmem:$0x18A80] =	vst v63  }
0x4e: {  	p1 =	sne.s32 s0, $0x4C4;
	_ =	swait.ge [sflag:s19], $0x50  }
0x4f: {  	s0 =	sadd.s32 s31, s14;
	s31 =	smov.u32 s7;
	[sflag:s19] =	ssyncset.done $0x0  }
0x50: {  	s6 =	sadd.s32 $0xA, s0;
	[sflag:s19] =	ssyncadd.s32 $0xFFFFFFB0  }
0x51: {  	[tilespmem:s24], [sflag:$0x3] =	stream.linear.gather [hbm4b:s6+s3], $0x50, $0x38;
	[tilespmem:$0x18A80] =	vst v63  }
0x52: {  	_ =	swait.ge [sflag:s19], $0x50  }
0x53: {  	[sflag:s19] =	ssyncset.done $0x0  }
0x54: {  	[sflag:s19] =	ssyncadd.s32 $0xFFFFFFB0  }
0x55: {  	[tilespmem:s25], [sflag:$0x2] =	stream.indirect.gather [hbm4b:s4+s21], $0x80, s23, s21, $0xb8;
	[tilespmem:$0x18A80] =	vst v63  }
0x56: {  	_ =	swait.ge [sflag:s26], $0x2800  }
0x57: {  	[sflag:s26] =	ssyncset.done $0x0  }
0x58: {  	[sflag:s26] =	ssyncadd.s32 $0xFFFFD800  }
0x59: {  	[spmem:s1] =	stream.indirect.scatter.add.f32 [tilespmem:s22], [sflag:$0x3], $0x80, s20, s21, $0xb8;
	[tilespmem:$0x18A80] =	vst v63  }
0x5a: {  	_ =	swait.ge [sflag:s19], $0x2800  }
0x5b: {  	s6 =	sshrl.u32 s30, $0x3;
	[sflag:s19] =	ssyncset.done $0x0  }
0x5c: {  	s6 =	sadd.s32 s5, s6;
	[sflag:s19] =	ssyncadd.s32 $0xFFFFD800  }
0x5d: {  	[tilespmem:s3], [sflag:$0x3] =	stream.linear.gather [hbm4b:s6+s3], $0x50, $0x38;
	[tilespmem:$0x18A80] =	vst v63  }
0x5e: {  	_ =	swait.ge [sflag:s19], $0x50  }
0x5f: {  	[sflag:s19] =	ssyncset.done $0x0  }
0x60: {  	s0 =	sadd.s32 $0x14, s0;
	[sflag:s19] =	ssyncadd.s32 $0xFFFFFFB0  }
0x61: {  	[tilespmem:s20], [sflag:$0x3] =	stream.linear.gather [hbm4b:s0+s3], $0x50, $0x38;
	[tilespmem:$0x18A80] =	vst v63  }
0x62: {  	_ =	swait.ge [sflag:s19], $0x50  }
0x63: {  	[sflag:s19] =	ssyncset.done $0x0  }
0x64: {  	[sflag:s19] =	ssyncadd.s32 $0xFFFFFFB0  }
0x65: {  	[tilespmem:s22], [sflag:$0x1] =	stream.indirect.gather [hbm4b:s4+s21], $0x80, s3, s21, $0xb8;
	[tilespmem:$0x18A80] =	vst v63  }
0x66: {  	_ =	swait.ge [sflag:s28], $0x2800  }
.Ltmp0:
0x67: {  	[sflag:s28] =	ssyncset.done $0x0;
	(pc) =	sbr.rel @p1 .LBB2_2-.Ltmp0, $4  }
0x68: {  	[sflag:s28] =	ssyncadd.s32 $0xFFFFD800  }
0x69: {  	[spmem:s1] =	stream.indirect.scatter.add.f32 [tilespmem:s25], [sflag:$0x3], $0x80, s24, s21, $0xb8;
	[tilespmem:$0x18A80] =	vst v63  }
0x6a: {  	_ =	swait.ge [sflag:s19], $0x2800  }
0x6b: {  	s30 =	sadd.s32 $0xA0, s30;
	s0 =	smov.u32 s2;
	[sflag:s19] =	ssyncset.done $0x0  }
0x6c: {  	s0 =	sadd.s32 s31, s15;
	[sflag:s19] =	ssyncadd.s32 $0xFFFFD800  }
0x6d: {  	[tilespmem:s23], [sflag:$0x3] =	stream.linear.gather [hbm4b:s0+s3], $0x50, $0x38;
	[tilespmem:$0x18A80] =	vst v63  }
0x6e: {  	_ =	swait.ge [sflag:s19], $0x50  }
0x6f: {  	s7 =	sadd.s32 s31, s14;
	[sflag:s19] =	ssyncset.done $0x0  }
0x70: {  	s2 =	sadd.s32 $0xA, s7;
	[sflag:s19] =	ssyncadd.s32 $0xFFFFFFB0  }
0x71: {  	[tilespmem:s24], [sflag:$0x3] =	stream.linear.gather [hbm4b:s2+s3], $0x50, $0x38;
	[tilespmem:$0x18A80] =	vst v63  }
0x72: {  	_ =	swait.ge [sflag:s19], $0x50  }
0x73: {  	[sflag:s19] =	ssyncset.done $0x0  }
0x74: {  	[sflag:s19] =	ssyncadd.s32 $0xFFFFFFB0  }
0x75: {  	[tilespmem:s25], [sflag:$0x2] =	stream.indirect.gather [hbm4b:s4+s21], $0x80, s23, s21, $0xb8;
	[tilespmem:$0x18A80] =	vst v63  }
0x76: {  	_ =	swait.ge [sflag:s26], $0x2800  }
0x77: {  	[sflag:s26] =	ssyncset.done $0x0  }
0x78: {  	[sflag:s26] =	ssyncadd.s32 $0xFFFFD800  }
0x79: {  	[spmem:s1] =	stream.indirect.scatter.add.f32 [tilespmem:s22], [sflag:$0x3], $0x80, s20, s21, $0xb8;
	[tilespmem:$0x18A80] =	vst v63  }
0x7a: {  	_ =	swait.ge [sflag:s19], $0x2800  }
0x7b: {  	s31 =	sshrl.u32 s30, $0x3;
	[sflag:s19] =	ssyncset.done $0x0  }
0x7c: {  	s2 =	sadd.s32 s5, s31;
	[sflag:s19] =	ssyncadd.s32 $0xFFFFD800  }
0x7d: {  	[tilespmem:s3], [sflag:$0x3] =	stream.linear.gather [hbm4b:s2+s3], $0x50, $0x38;
	[tilespmem:$0x18A80] =	vst v63  }
0x7e: {  	_ =	swait.ge [sflag:s19], $0x50  }
0x7f: {  	[sflag:s19] =	ssyncset.done $0x0  }
0x80: {  	s0 =	sadd.s32 $0x14, s7;
	[sflag:s19] =	ssyncadd.s32 $0xFFFFFFB0  }
0x81: {  	[tilespmem:s20], [sflag:$0x3] =	stream.linear.gather [hbm4b:s0+s3], $0x50, $0x38;
	[tilespmem:$0x18A80] =	vst v63  }
0x82: {  	_ =	swait.ge [sflag:s19], $0x50  }
0x83: {  	[sflag:s19] =	ssyncset.done $0x0  }
0x84: {  	[sflag:s19] =	ssyncadd.s32 $0xFFFFFFB0  }
0x85: {  	[tilespmem:s22], [sflag:$0x1] =	stream.indirect.gather [hbm4b:s4+s21], $0x80, s3, s21, $0xb8;
	[tilespmem:$0x18A80] =	vst v63  }
0x86: {  	_ =	swait.ge [sflag:s28], $0x2800  }
0x87: {  	[sflag:s28] =	ssyncset.done $0x0  }
0x88: {  	[sflag:s28] =	ssyncadd.s32 $0xFFFFD800  }
0x89: {  	[spmem:s1] =	stream.indirect.scatter.add.f32 [tilespmem:s25], [sflag:$0x3], $0x80, s24, s21, $0xb8;
	[tilespmem:$0x18A80] =	vst v63  }
0x8a: {  	_ =	swait.ge [sflag:s19], $0x2800  }
0x8b: {  	[sflag:s19] =	ssyncset.done $0x0  }
0x8c: {  	[sflag:s19] =	ssyncadd.s32 $0xFFFFD800  }
0x8d: {  	_ =	swait.ge [sflag:s26], $0x2800  }
0x8e: {  	[sflag:s26] =	ssyncset.done $0x0  }
0x8f: {  	[sflag:s26] =	ssyncadd.s32 $0xFFFFD800  }
0x90: {  	[spmem:s1] =	stream.indirect.scatter.add.f32 [tilespmem:s22], [sflag:$0x3], $0x80, s20, s21, $0xb8;
	[tilespmem:$0x18A80] =	vst v63  }
0x91: {  	_ =	swait.ge [sflag:s19], $0x2800  }
0x92: {  	[sflag:s19] =	ssyncset.done $0x0  }
0x93: {  	[sflag:s19] =	ssyncadd.s32 $0xFFFFD800  }
0x94: {  	s0 =	simm.s32 @p0 $0x1FC3;
	[bflag:$0x0] =	sbarrier.arrive $0xFFFF  }
0x95: {  	[hbm:s11], [sflag:s0] =	dma.local @p0 [spmem:s16], $0x2800  }
0x96: {  	s0 =	simm.s32 @p0 $0x3  }
0x97: {  	s29 =	sadd.s32 $0x1, s29;
	_ =	swait.ge @p0 [sflag:s0], $0x2800  }
0x98: {  	p1 =	sne.s32 s29, s12;
	[sflag:s0] =	ssyncset.done @p0 $0x0  }
.Ltmp1:
0x99: {  	[sflag:s0] =	ssyncadd.s32 @p0 $0xFFFFD800;
	s0 =	simm.s32 @!p0 $0x3;
	(pc) =	sbr.rel @p1 .LBB2_1-.Ltmp1, $4  }
0x9a: {  	[hbm:s10], [sflag:s17] =	dma.local @!p0 [spmem:s18], $0x2700  }
0x9b: {  	_ =	swait.ge @!p0 [sflag:s0], $0x2700  }
0x9c: {  	[sflag:s0] =	ssyncset.done @!p0 $0x0  }
0x9d: {  	[sflag:s0] =	ssyncadd.s32 @!p0 $0xFFFFD900  }
0x9e: {  	_ =	sfence.sel $0x180000  }
0x9f: {  	[bflag:$0x0] =	sbarrier.arrive $0xFFFF  }
0xa0: {  	_ =	strace $0x90000047  }
0xa1: {  	s0 =	stileid.u32;
	[bflag:$0x2] =	sbarrier.arrive $0xFFFF  }
0xa2: {  	p0 =	sne.s32 s0, $0x0;
	s0 =	rddreg [dreg:$0x2]  }
0xa3: {  	s0 =	sadd.s32 @!p0 $0x100000, s0  }
0xa4: {  	[sflag:s0] =	ssyncadd.tile.s32 @!p0 $0x1;
	_ =	shalt  }
.Lfunc_end2:
_tile_overlayer_lowered:
.L_overlay_start_2:
0xa5: {  	(tag) =	ssettag $0x2  }
0xa6: {  	s0 =	rddreg [dreg:$0x0];
	s2 =	stileid.u32  }
0xa7: {  	s1 =	rddreg [dreg:$0x1];
	p0 =	sne.s32 s2, $0x0  }
0xa8: {  	s3 =	rddreg [dreg:$0x2];
	[bflag:$0x3] =	sbarrier.arrive $0xFFFF;
	s2 =	simm.s32 @!p0 $0x1C03  }
0xa9: {  	[timem:s3], [sflag:s2] =	dma.local @!p0 [hbm:s0], s1  }
0xaa: {  	s0 =	simm.s32 @!p0 $0x3  }
0xab: {  	_ =	swait.ge @!p0 [sflag:s0], s1  }
0xac: {  	s1 =	ssub.s32 @!p0 $0x0, s1;
	[sflag:s0] =	ssyncset.done @!p0 $0x0  }
0xad: {  	[sflag:s0] =	ssyncadd.s32 @!p0 s1  }
0xae: {  	[bflag:$0x3] =	sbarrier.arrive $0xFFFF  }
0xaf: {  	_ =	shalt  }

// kernel: kernel.18.cloned.1.call-start
scs
__scs_entry_jumppad:
0x0: {  	(pc) =	sbr.rel $0x88, $3  }
0x1: {  	(tag) =	ssettag $0x0;
	lr =	simm.s32 $0x1  }
0x2: {  	[smem:$0x3F91] =	sst lr;
	_ =	strace $0xD0000000  }
0x3: {  	_ = 	snop  }
0x4: {  	_ = 	snop  }
0x5: {  	_ = 	snop  }
0x6: {  	_ = 	snop  }
0x7: {  	_ = 	snop  }
__scs_overlays_trampoline_lowered:
0x8: {  	[smem:$0x3FA0] =	sst s0  }
0x9: {  	[smem:$0x3FA1] =	sst s1  }
0xa: {  	[smem:$0x3FA2] =	sst s2  }
0xb: {  	[smem:$0x3FA3] =	sst s3  }
0xc: {  	[smem:$0x3FA4] =	sst s4  }
0xd: {  	[smem:$0x3FA5] =	sst s5  }
0xe: {  	[smem:$0x3FA6] =	sst s6  }
0xf: {  	[smem:$0x3FA7] =	sst s7  }
0x10: {  	[smem:$0x3FA8] =	sst s8  }
0x11: {  	[smem:$0x3FA9] =	sst s9;
	s0 =	simm.s32 @!p0 $0x0  }
0x12: {  	s1 =	sld [smem:$0x3F8F];
	s0 =	simm.s32 @p0 $0x1  }
0x13: {  	[smem:$0x3FAA] =	sst s0;
	s0 =	simm.s32 @!p1 $0x0  }
0x14: {  	s2 =	sld [smem:$0x3F8E];
	s0 =	simm.s32 @p1 $0x1  }
0x15: {  	[smem:$0x3FAB] =	sst s0;
	s0 =	simm.s32 @!p2 $0x0  }
0x16: {  	s3 =	sld [smem:$0x3FDB];
	s0 =	simm.s32 @p2 $0x1  }
0x17: {  	s4 =	simm.s32 $0x1BF5;
	[smem:$0x3FAD] =	sst s0  }
0x18: {  	s0 =	sld [smem:$0x3F90];
	_ =	swait.ge [sflag:s4], $0x0  }
0x19: {  	s7 =	sld [smem:$0x3F91]  }
0x1a: {  	s8 =	sadd.s32 $0xFFFFE003, lr  }
0x1b: {  	s9 =	sadd.s32 $0xFFFFFEF7, lr;
	s5 =	simm.s32 $0xFFFFFFFF;
	p2 =	slt.u32 s8, $0xFFFFF086  }
0x1c: {  	p1 =	slt.u32 s9, $0xF7A;
	s5 =	simm.s32 @!p2 $0x0  }
0x1d: {  	s5 =	simm.s32 @p1 $0x1;
	p0 =	seq.s32 s7, s2  }
0x1e: {  	s7 =	smul.u32 @!p0 $0xF7A, s2;
	p2 =	seq.s32 @!p0 s5, $0x0  }
0x1f: {  	s9 =	smul.u32 $0xF7A, s1;
	s8 =	simm.s32 @!p0 $0x1BF5;
	p2 =	por !p2, p0  }
0x20: {  	[sflag:s8] =	ssyncset.s32 @!p0 $0xFFFFF086;
	s6 =	sadd.s32 @!p0 s3, s7;
	s7 =	simm.s32 @!p0 $0x108  }
0x21: {  	s3 =	sadd.s32 s3, s9;
	s6 =	sadd.s32 @!p0 $0x88, s6;
	s7 =	simm.s32 @p2 $0x1082  }
0x22: {  	[simem:s7], [sflag:s8] =	dma.local @!p0 [hbm:s6], $0xF7A  }
0x23: {  	s9 =	sor.u32 $0xD0000000, s2;
	s6 =	simm.s32 $0x108;
	_ =	swait.ge @!p0 [sflag:s8], $0x0  }
0x24: {  	s3 =	sadd.s32 $0x88, s3;
	s6 =	simm.s32 @!p1 $0x1082;
	[sflag:s4] =	ssyncset.s32 $0xFFFFF086  }
0x25: {  	[simem:s6], [sflag:s4] =	dma.local [hbm:s3], $0xF7A  }
0x26: {  	[smem:$0x3F91] =	sst s1;
	(tag) =	ssettag s2;
	_ =	strace s9  }
0x27: {  	s1 =	sld [smem:$0x3FA1]  }
0x28: {  	s2 =	sld [smem:$0x3FA2]  }
0x29: {  	s4 =	sld [smem:$0x3FA4]  }
0x2a: {  	p0 =	seq.s32 s5, $0x0;
	s5 =	sld [smem:$0x3FA5]  }
0x2b: {  	s6 =	sld [smem:$0x3FA6]  }
0x2c: {  	s7 =	sld [smem:$0x3FA7]  }
0x2d: {  	s3 =	simm.s32 $0x108;
	s8 =	sld [smem:$0x3FA8]  }
0x2e: {  	s3 =	simm.s32 @!p0 $0x1082;
	s9 =	sld [smem:$0x3FA9]  }
0x2f: {  	lr =	sadd.s32 s0, s3;
	s0 =	sld [smem:$0x3FA0]  }
0x30: {  	s3 =	sld [smem:$0x3FA3]  }
0x31: {  	[smem:$0x3FAC] =	sst s10  }
0x32: {  	s10 =	sld [smem:$0x3FAA];
	_ =	sdelay $0x3  }
0x33: {  	p0 =	seq.s32 s10, $0x1;
	s10 =	sld [smem:$0x3FAC];
	_ =	sdelay $0x3  }
0x34: {  	[smem:$0x3FAC] =	sst s10  }
0x35: {  	s10 =	sld [smem:$0x3FAB];
	_ =	sdelay $0x3  }
0x36: {  	p1 =	seq.s32 s10, $0x1;
	s10 =	sld [smem:$0x3FAC];
	_ =	sdelay $0x3  }
0x37: {  	[smem:$0x3FAC] =	sst s10  }
0x38: {  	s10 =	sld [smem:$0x3FAD]  }
0x39: {  	_ = 	snop;
	(pc) =	sbr.ind lr, $3  }
0x3a: {  	_ = 	snop  }
0x3b: {  	_ = 	snop  }
0x3c: {  	p2 =	seq.s32 s10, $0x1;
	s10 =	sld [smem:$0x3FAC]  }
0x3d: {  	_ =	shalt  }
0x3e: {  	_ =	shalt  }
0x3f: {  	_ =	shalt  }
0x40: {  	_ =	shalt  }
0x41: {  	_ =	shalt  }
0x42: {  	_ =	shalt  }
0x43: {  	_ =	shalt  }
0x44: {  	_ =	shalt  }
0x45: {  	_ =	shalt  }
0x46: {  	_ =	shalt  }
0x47: {  	_ =	shalt  }
0x48: {  	_ =	shalt  }
0x49: {  	_ =	shalt  }
0x4a: {  	_ =	shalt  }
0x4b: {  	_ =	shalt  }
0x4c: {  	_ =	shalt  }
0x4d: {  	_ =	shalt  }
0x4e: {  	_ =	shalt  }
0x4f: {  	_ =	shalt  }
0x50: {  	_ =	shalt  }
0x51: {  	_ =	shalt  }
0x52: {  	_ =	shalt  }
0x53: {  	_ =	shalt  }
0x54: {  	_ =	shalt  }
0x55: {  	_ =	shalt  }
0x56: {  	_ =	shalt  }
0x57: {  	_ =	shalt  }
0x58: {  	_ =	shalt  }
0x59: {  	_ =	shalt  }
0x5a: {  	_ =	shalt  }
0x5b: {  	_ =	shalt  }
0x5c: {  	_ =	shalt  }
0x5d: {  	_ =	shalt  }
0x5e: {  	_ =	shalt  }
0x5f: {  	_ =	shalt  }
0x60: {  	_ =	shalt  }
0x61: {  	_ =	shalt  }
0x62: {  	_ =	shalt  }
0x63: {  	_ =	shalt  }
0x64: {  	_ =	shalt  }
0x65: {  	_ =	shalt  }
0x66: {  	_ =	shalt  }
0x67: {  	_ =	shalt  }
0x68: {  	_ =	shalt  }
0x69: {  	_ =	shalt  }
0x6a: {  	_ =	shalt  }
0x6b: {  	_ =	shalt  }
0x6c: {  	_ =	shalt  }
0x6d: {  	_ =	shalt  }
0x6e: {  	_ =	shalt  }
0x6f: {  	_ =	shalt  }
0x70: {  	_ =	shalt  }
0x71: {  	_ =	shalt  }
0x72: {  	_ =	shalt  }
0x73: {  	_ =	shalt  }
0x74: {  	_ =	shalt  }
0x75: {  	_ =	shalt  }
0x76: {  	_ =	shalt  }
0x77: {  	_ =	shalt  }
0x78: {  	_ =	shalt  }
0x79: {  	_ =	shalt  }
0x7a: {  	_ =	shalt  }
0x7b: {  	_ =	shalt  }
0x7c: {  	_ =	shalt  }
0x7d: {  	_ =	shalt  }
0x7e: {  	_ =	shalt  }
0x7f: {  	_ =	shalt  }
0x80: {  	_ =	shalt  }
0x81: {  	_ =	shalt  }
0x82: {  	_ =	shalt  }
0x83: {  	_ =	shalt  }
0x84: {  	_ =	shalt  }
0x85: {  	_ =	shalt  }
0x86: {  	_ =	shalt  }
0x87: {  	_ =	shalt  }
.Lfunc_end0:
.L_simem_size_0:
called_computation.1_lowered:
.L_overlay_start_0:
0x88: {  	s2 =	sld [smem:$0x3FD9]  }
0x89: {  	s3 =	sld [smem:$0x3FFE];
	_ =	sdelay $0x1  }
0x8a: {  	s1 =	srdreg.scid  }
0x8b: {  	s0 =	sand.u32 $0x1, s1  }
0x8c: {  	s16 =	sshll.u32 s0, $0xA;
	s2 =	sadd.s32 s3, s2  }
0x8d: {  	s2 =	sadd.s32 s2, s16  }
0x8e: {  	[smem:$0x3FB8] =	sst s2  }
0x8f: {  	_ = 	snop  }
0x90: {  	(tm) =	ssettm $0x1  }
0x91: {  	s17 =	sld [smem:$0x3FFB];
	_ =	sdelay $0x3  }
0x92: {  	_ =	strace s17  }
0x93: {  	s2 =	sld [smem:$0x3FFC];
	_ =	sdelay $0x3  }
0x94: {  	_ =	strace s2  }
0x95: {  	s2 =	sld [smem:$0x3FFD];
	_ =	sdelay $0x3  }
0x96: {  	_ =	strace s2  }
0x97: {  	_ =	strace $0x8FFFFFFF  }
0x98: {  	s18 =	sld [smem:$0x3FDB];
	_ =	sdelay $0x1  }
0x99: {  	s19 =	simm.s32 $_scs_section_size  }
0x9a: {  	s4 =	simm.s32 $_size__tile_overlayer_lowered;
	s5 =	simm.s32 $_tile_overlayer_lowered  }
0x9b: {  	s22 =	simm.s32 $0x1BFF;
	s21 =	sshll.u32 s5, $0x1;
	s2 =	sadd.s32 s19, s18  }
0x9c: {  	s6 =	simm.s32 $0x0;
	s20 =	sshll.u32 s4, $0x1;
	s4 =	sadd.s32 s21, s2  }
0x9d: {  	[timem:s6], [sflag:s22] =	dma.local [hbm:s4], s20  }
0x9e: {  	_ =	swait.ge [sflag:s22], s20  }
0x9f: {  	s3 =	ssub.s32 $0x0, s20;
	[sflag:s22] =	ssyncset.done $0x0  }
0xa0: {  	[sflag:s22] =	ssyncadd.s32 s3;
	_ =	sdelay $0x1  }
0xa1: {  	s23 =	simm.s32 $0x1B8B  }
0xa2: {  	_ =	swait.ge [sflag:s23], $0x1  }
0xa3: {  	[sflag:s23] =	ssyncset.done $0x0  }
0xa4: {  	s25 =	simm.s32 $0x1B8E;
	s24 =	sld [smem:$0x3FFE];
	[sflag:s23] =	ssyncadd.s32 $0xFFFFFFFF  }
0xa5: {  	s26 =	simm.s32 $execute0_lowered;
	[smem:$0x3FD2] =	sst s25  }
0xa6: {  	s4 =	sshll.u32 s26, $0x1;
	_ =	strace $0x80000049;
	[dreg:$0x1] =	wrdreg $0xFFFFFFFF  }
0xa7: {  	s28 =	simm.s32 $_size_execute0_lowered;
	s2 =	sadd.s32 s2, s4;
	[dreg:$0x0] =	wrdreg $0x0  }
0xa8: {  	s4 =	sshll.u32 s28, $0x1;
	[dreg:$0x2] =	wrdreg s2  }
0xa9: {  	[dreg:$0x3] =	wrdreg s4  }
0xaa: {  	[dreg:$0x4] =	wrdreg $0xC0  }
0xab: {  	_ =	task [dreg:s6], $0x5FFFF  }
0xac: {  	[dreg:$0x1] =	wrdreg $0xFFFFFFFF  }
0xad: {  	[dreg:$0x0] =	wrdreg $0x60  }
0xae: {  	[dreg:$0x2] =	wrdreg s24  }
0xaf: {  	[dreg:$0x3] =	wrdreg $0x52000  }
0xb0: {  	[dreg:$0x4] =	wrdreg $0x9  }
0xb1: {  	_ =	task.clear_ibuf [dreg:s6], $0x5FFFF;
	_ =	strace $0x90000049  }
0xb2: {  	s29 =	simm.s32 $0x9;
	_ =	strace $0x8000004B  }
0xb3: {  	_ =	swait.ge [sflag:s29], $0x1  }
0xb4: {  	[sflag:s29] =	ssyncadd.s32 $0xFFFFFFFF  }
0xb5: {  	_ =	strace $0x9000004B  }
0xb6: {  	_ =	sfence  }
0xb7: {  	s30 =	sld [smem:$0x0];
	_ =	sdelay $0x2  }
0xb8: {  	s31 =	sshll.u32 s1, $0xD;
	s1 =	sshrl.u32 s1, $0x2  }
0xb9: {  	s3 =	sand.u32 $0x4000, s31;
	s1 =	sadd.s32 s1, s30  }
0xba: {  	s0 =	sor.u32 s3, s0;
	s1 =	sshll.u32 s1, $0x11  }
0xbb: {  	s0 =	sor.u32 s1, s0  }
0xbc: {  	s0 =	sadd.s32 $0x8F2B, s0  }
0xbd: {  	[sflag:s0] =	ssyncadd.remote.s32 $0x1  }
0xbe: {  	_ =	sfence.sel $0xFFFF  }
0xbf: {  	[dreg:$0x0] =	wrdreg $0xFFFFFFFF;
	(pc) =	sbr.abs _section_cstart, $3  }
0xc0: {  	[dreg:$0x1] =	wrdreg $0xFFFFFFFF  }
0xc1: {  	_ =	task.clear_ibuf [dreg:s6], $0x2FFFF;
	_ =	strace $0x9FFFFFFF  }
0xc2: {  	(tm) =	ssettm $0x7FFFFFFF  }
0xc3: {  	_ =	shalt  }
tec
execute0_lowered:
.L_overlay_start_1:
0x0: {  	(tag) =	ssettag $0x1  }
0x1: {  	s0 =	rddreg [dreg:$0x0]  }
0x2: {  	s1 =	rddreg [dreg:$0x1];
	s3 =	simm.s32 $0x0  }
0x3: {  	s19 =	stileid.u32;
	s6 =	srdreg.scid;
	s28 =	simm.s32 $0x2  }
0x4: {  	s29 =	simm.s32 $0x0;
	[smem:$0x7FF] =	sst s3;
	s2 =	smul.u32 $0x2700, s19  }
0x5: {  	s4 =	sadd.s32 $0x15600, s0;
	s5 =	sadd.s32 $0xB800, s0;
	s16 =	smul.u32 $0x4E000, s19  }
0x6: {  	s14 =	sadd.s32 $0x6800, s0;
	s7 =	sand.u32 $0x1, s6;
	s12 =	smul.u32 $0x2710, s19  }
0x7: {  	s13 =	sadd.s32 $0x8AA00, s0;
	s26 =	smul.u32 $0x4E2, s19;
	p0 =	seq.s32 s19, $0xF  }
0x8: {  	_ =	strace $0x8000004A;
	s9 =	ssub.s32 $0x2, s7;
	s10 =	smul.u32 $0x27100, s7  }
0x9: {  	s20 =	smul.u32 $0x138800, s7;
	s8 =	sadd.s32 s2, s0;
	s11 =	sshrl.u32 s9, $0x1  }
0xa: {  	s6 =	sshrl.u32 s16, $0x2;
	s0 =	sadd.s32 $0x88100, s0;
	s22 =	sshrl.u32 s12, $0x3  }
0xb: {  	s15 =	ssub.s32 s9, s11;
	s18 =	sadd.s32 s6, s1;
	s17 =	sadd.s32 $0x63800, s8  }
0xc: {  	s16 =	sadd.s32 s12, s10;
	[dreg:$0x4] =	wrdreg s0;
	s23 =	sshrl.u32 s20, $0x3  }
0xd: {  	s9 =	sadd.s32 s14, s22;
	s24 =	sadd.s32 s2, s10;
	s14 =	sadd.s32 s26, s14  }
0xe: {  	s0 =	sshll.u32 @!p0 s19, $0x6;
	s19 =	simm.s32 $0x3;
	s20 =	simm.s32 $0x100  }
0xf: {  	s22 =	simm.s32 $0x200;
	s26 =	simm.s32 $0x1;
	[dreg:$0x3] =	wrdreg s17  }
0x10: {  	s17 =	sadd.s32 $0x124800, s1;
	s21 =	sshrl.u32 s16, $0x3;
	s25 =	sadd.s32 s13, s23  }
0x11: {  	s10 =	sadd.s32 s13, s24;
	s12 =	smax.u32 s15, $0x1;
	s13 =	sadd.s32 $0xA0, s16  }
0x12: {  	s30 =	sadd.s32 $0x50, s16;
	s18 =	sshrl.u32 @!p0 s18, $0x3;
	s23 =	simm.s32 $0x80  }
0x13: {  	s24 =	simm.s32 $0x180;
	s8 =	sadd.s32 s5, s21;
	s11 =	sadd.s32 $0x24900, s25  }
0x14: {  	s31 =	sshrl.u32 s30, $0x3;
	s16 =	sshrl.u32 @p0 s17, $0x3;
	s17 =	sor.u32 @!p0 $0x1C03, s0  }
0x15: {  	s21 =	simm.s32 $0x50;
	s25 =	simm.s32 $0x2A00;
	s15 =	sadd.s32 s31, s5  }
.LBB2_1:
0x16: {  	s0 =	simm.s32 @p0 $0x1FC3;
	s2 =	rddreg [dreg:$0x4]  }
0x17: {  	[spmem:s16], [sflag:s0] =	dma.local @p0 [hbm:s2], $0x2800  }
0x18: {  	s0 =	simm.s32 @p0 $0x3  }
0x19: {  	_ =	swait.ge @p0 [sflag:s0], $0x2800  }
0x1a: {  	[sflag:s0] =	ssyncset.done @p0 $0x0  }
0x1b: {  	[sflag:s0] =	ssyncadd.s32 @p0 $0xFFFFD800;
	s0 =	rddreg [dreg:$0x3]  }
0x1c: {  	[spmem:s18], [sflag:s17] =	dma.local @!p0 [hbm:s0], $0x2700  }
0x1d: {  	s0 =	simm.s32 @!p0 $0x3  }
0x1e: {  	_ =	swait.ge @!p0 [sflag:s0], $0x2700  }
0x1f: {  	[sflag:s0] =	ssyncset.done @!p0 $0x0  }
0x20: {  	[sflag:s0] =	ssyncadd.s32 @!p0 $0xFFFFD900  }
0x21: {  	[bflag:$0x0] =	sbarrier.arrive $0xFFFF  }
0x22: {  	[tilespmem:s3], [sflag:$0x3] =	stream.linear.gather [hbm4b:s8+s3], $0x50, $0x38;
	[tilespmem:$0x18A80] =	vst v63  }
0x23: {  	_ =	swait.ge [sflag:s19], $0x50  }
0x24: {  	[sflag:s19] =	ssyncset.done $0x0  }
0x25: {  	[sflag:s19] =	ssyncadd.s32 $0xFFFFFFB0  }
0x26: {  	[tilespmem:s20], [sflag:$0x3] =	stream.linear.gather [hbm4b:s9+s3], $0x50, $0x38;
	[tilespmem:$0x18A80] =	vst v63  }
0x27: {  	_ =	swait.ge [sflag:s19], $0x50  }
0x28: {  	[sflag:s19] =	ssyncset.done $0x0  }
0x29: {  	[sflag:s19] =	ssyncadd.s32 $0xFFFFFFB0  }
0x2a: {  	[tilespmem:s22], [sflag:$0x1] =	stream.indirect.gather [hbm4b:s4+s21], $0x80, s3, s21, $0xb8;
	[tilespmem:$0x18A80] =	vst v63  }
0x2b: {  	s2 =	sadd.s32 $0x0, s15  }
0x2c: {  	[tilespmem:s23], [sflag:$0x3] =	stream.linear.gather [hbm4b:s2+s3], $0x50, $0x38;
	[tilespmem:$0x18A80] =	vst v63  }
0x2d: {  	_ =	swait.ge [sflag:s19], $0x50  }
0x2e: {  	s0 =	sadd.s32 $0x0, s14;
	[sflag:s19] =	ssyncset.done $0x0  }
0x2f: {  	s6 =	sadd.s32 $0xA, s0;
	[sflag:s19] =	ssyncadd.s32 $0xFFFFFFB0  }
0x30: {  	[tilespmem:s24], [sflag:$0x3] =	stream.linear.gather [hbm4b:s6+s3], $0x50, $0x38;
	[tilespmem:$0x18A80] =	vst v63  }
0x31: {  	_ =	swait.ge [sflag:s19], $0x50  }
0x32: {  	[sflag:s19] =	ssyncset.done $0x0  }
0x33: {  	[sflag:s19] =	ssyncadd.s32 $0xFFFFFFB0  }
0x34: {  	[tilespmem:s25], [sflag:$0x2] =	stream.indirect.gather [hbm4b:s4+s21], $0x80, s23, s21, $0xb8;
	[tilespmem:$0x18A80] =	vst v63  }
0x35: {  	_ =	swait.ge [sflag:s26], $0x2800  }
0x36: {  	[sflag:s26] =	ssyncset.done $0x0  }
0x37: {  	[sflag:s26] =	ssyncadd.s32 $0xFFFFD800  }
0x38: {  	[spmem:s1] =	stream.indirect.scatter.add.f32 [tilespmem:s22], [sflag:$0x3], $0x80, s20, s21, $0xb8;
	[tilespmem:$0x18A80] =	vst v63  }
0x39: {  	_ =	swait.ge [sflag:s19], $0x2800  }
0x3a: {  	s7 =	sshrl.u32 s13, $0x3;
	[sflag:s19] =	ssyncset.done $0x0  }
0x3b: {  	s2 =	sadd.s32 s5, s7;
	[sflag:s19] =	ssyncadd.s32 $0xFFFFD800  }
0x3c: {  	[tilespmem:s3], [sflag:$0x3] =	stream.linear.gather [hbm4b:s2+s3], $0x50, $0x38;
	[tilespmem:$0x18A80] =	vst v63  }
0x3d: {  	_ =	swait.ge [sflag:s19], $0x50  }
0x3e: {  	[sflag:s19] =	ssyncset.done $0x0  }
0x3f: {  	s0 =	sadd.s32 $0x14, s0;
	[sflag:s19] =	ssyncadd.s32 $0xFFFFFFB0  }
0x40: {  	[tilespmem:s20], [sflag:$0x3] =	stream.linear.gather [hbm4b:s0+s3], $0x50, $0x38;
	[tilespmem:$0x18A80] =	vst v63  }
0x41: {  	_ =	swait.ge [sflag:s19], $0x50  }
0x42: {  	[sflag:s19] =	ssyncset.done $0x0  }
0x43: {  	[sflag:s19] =	ssyncadd.s32 $0xFFFFFFB0  }
0x44: {  	[tilespmem:s22], [sflag:$0x1] =	stream.indirect.gather [hbm4b:s4+s21], $0x80, s3, s21, $0xb8;
	[tilespmem:$0x18A80] =	vst v63  }
0x45: {  	_ =	swait.ge [sflag:s28], $0x2800  }
0x46: {  	[sflag:s28] =	ssyncset.done $0x0  }
0x47: {  	[sflag:s28] =	ssyncadd.s32 $0xFFFFD800  }
0x48: {  	[spmem:s1] =	stream.indirect.scatter.add.f32 [tilespmem:s25], [sflag:$0x3], $0x80, s24, s21, $0xb8;
	[tilespmem:$0x18A80] =	vst v63  }
0x49: {  	s31 =	simm.s32 $0x14;
	_ =	swait.ge [sflag:s19], $0x2800  }
0x4a: {  	s30 =	sadd.s32 $0xA0, s13;
	s0 =	simm.s32 $0x28;
	[sflag:s19] =	ssyncset.done $0x0  }
.LBB2_2:
0x4b: {  	s6 =	sadd.s32 s31, s15  }
0x4c: {  	[sflag:s19] =	ssyncadd.s32 $0xFFFFD800;
	s7 =	smov.u32 s0;
	s2 =	sadd.s32 $0x14, s0  }
0x4d: {  	[tilespmem:s23], [sflag:$0x3] =	stream.linear.gather [hbm4b:s6+s3], $0x50, $0x38;
	[tilespmem:$0x18A80] =	vst v63  }
0x4e: {  	p1 =	sne.s32 s0, $0x4C4;
	_ =	swait.ge [sflag:s19], $0x50  }
0x4f: {  	s0 =	sadd.s32 s31, s14;
	s31 =	smov.u32 s7;
	[sflag:s19] =	ssyncset.done $0x0  }
0x50: {  	s6 =	sadd.s32 $0xA, s0;
	[sflag:s19] =	ssyncadd.s32 $0xFFFFFFB0  }
0x51: {  	[tilespmem:s24], [sflag:$0x3] =	stream.linear.gather [hbm4b:s6+s3], $0x50, $0x38;
	[tilespmem:$0x18A80] =	vst v63  }
0x52: {  	_ =	swait.ge [sflag:s19], $0x50  }
0x53: {  	[sflag:s19] =	ssyncset.done $0x0  }
0x54: {  	[sflag:s19] =	ssyncadd.s32 $0xFFFFFFB0  }
0x55: {  	[tilespmem:s25], [sflag:$0x2] =	stream.indirect.gather [hbm4b:s4+s21], $0x80, s23, s21, $0xb8;
	[tilespmem:$0x18A80] =	vst v63  }
0x56: {  	_ =	swait.ge [sflag:s26], $0x2800  }
0x57: {  	[sflag:s26] =	ssyncset.done $0x0  }
0x58: {  	[sflag:s26] =	ssyncadd.s32 $0xFFFFD800  }
0x59: {  	[spmem:s1] =	stream.indirect.scatter.add.f32 [tilespmem:s22], [sflag:$0x3], $0x80, s20, s21, $0xb8;
	[tilespmem:$0x18A80] =	vst v63  }
0x5a: {  	_ =	swait.ge [sflag:s19], $0x2800  }
0x5b: {  	s6 =	sshrl.u32 s30, $0x3;
	[sflag:s19] =	ssyncset.done $0x0  }
0x5c: {  	s6 =	sadd.s32 s5, s6;
	[sflag:s19] =	ssyncadd.s32 $0xFFFFD800  }
0x5d: {  	[tilespmem:s3], [sflag:$0x3] =	stream.linear.gather [hbm4b:s6+s3], $0x50, $0x38;
	[tilespmem:$0x18A80] =	vst v63  }
0x5e: {  	_ =	swait.ge [sflag:s19], $0x50  }
0x5f: {  	[sflag:s19] =	ssyncset.done $0x0  }
0x60: {  	s0 =	sadd.s32 $0x14, s0;
	[sflag:s19] =	ssyncadd.s32 $0xFFFFFFB0  }
0x61: {  	[tilespmem:s20], [sflag:$0x3] =	stream.linear.gather [hbm4b:s0+s3], $0x50, $0x38;
	[tilespmem:$0x18A80] =	vst v63  }
0x62: {  	_ =	swait.ge [sflag:s19], $0x50  }
0x63: {  	[sflag:s19] =	ssyncset.done $0x0  }
0x64: {  	[sflag:s19] =	ssyncadd.s32 $0xFFFFFFB0  }
0x65: {  	[tilespmem:s22], [sflag:$0x1] =	stream.indirect.gather [hbm4b:s4+s21], $0x80, s3, s21, $0xb8;
	[tilespmem:$0x18A80] =	vst v63  }
0x66: {  	_ =	swait.ge [sflag:s28], $0x2800  }
.Ltmp0:
0x67: {  	[sflag:s28] =	ssyncset.done $0x0;
	(pc) =	sbr.rel @p1 .LBB2_2-.Ltmp0, $4  }
0x68: {  	[sflag:s28] =	ssyncadd.s32 $0xFFFFD800  }
0x69: {  	[spmem:s1] =	stream.indirect.scatter.add.f32 [tilespmem:s25], [sflag:$0x3], $0x80, s24, s21, $0xb8;
	[tilespmem:$0x18A80] =	vst v63  }
0x6a: {  	_ =	swait.ge [sflag:s19], $0x2800  }
0x6b: {  	s30 =	sadd.s32 $0xA0, s30;
	s0 =	smov.u32 s2;
	[sflag:s19] =	ssyncset.done $0x0  }
0x6c: {  	s0 =	sadd.s32 s31, s15;
	[sflag:s19] =	ssyncadd.s32 $0xFFFFD800  }
0x6d: {  	[tilespmem:s23], [sflag:$0x3] =	stream.linear.gather [hbm4b:s0+s3], $0x50, $0x38;
	[tilespmem:$0x18A80] =	vst v63  }
0x6e: {  	_ =	swait.ge [sflag:s19], $0x50  }
0x6f: {  	s7 =	sadd.s32 s31, s14;
	[sflag:s19] =	ssyncset.done $0x0  }
0x70: {  	s2 =	sadd.s32 $0xA, s7;
	[sflag:s19] =	ssyncadd.s32 $0xFFFFFFB0  }
0x71: {  	[tilespmem:s24], [sflag:$0x3] =	stream.linear.gather [hbm4b:s2+s3], $0x50, $0x38;
	[tilespmem:$0x18A80] =	vst v63  }
0x72: {  	_ =	swait.ge [sflag:s19], $0x50  }
0x73: {  	[sflag:s19] =	ssyncset.done $0x0  }
0x74: {  	[sflag:s19] =	ssyncadd.s32 $0xFFFFFFB0  }
0x75: {  	[tilespmem:s25], [sflag:$0x2] =	stream.indirect.gather [hbm4b:s4+s21], $0x80, s23, s21, $0xb8;
	[tilespmem:$0x18A80] =	vst v63  }
0x76: {  	_ =	swait.ge [sflag:s26], $0x2800  }
0x77: {  	[sflag:s26] =	ssyncset.done $0x0  }
0x78: {  	[sflag:s26] =	ssyncadd.s32 $0xFFFFD800  }
0x79: {  	[spmem:s1] =	stream.indirect.scatter.add.f32 [tilespmem:s22], [sflag:$0x3], $0x80, s20, s21, $0xb8;
	[tilespmem:$0x18A80] =	vst v63  }
0x7a: {  	_ =	swait.ge [sflag:s19], $0x2800  }
0x7b: {  	s31 =	sshrl.u32 s30, $0x3;
	[sflag:s19] =	ssyncset.done $0x0  }
0x7c: {  	s2 =	sadd.s32 s5, s31;
	[sflag:s19] =	ssyncadd.s32 $0xFFFFD800  }
0x7d: {  	[tilespmem:s3], [sflag:$0x3] =	stream.linear.gather [hbm4b:s2+s3], $0x50, $0x38;
	[tilespmem:$0x18A80] =	vst v63  }
0x7e: {  	_ =	swait.ge [sflag:s19], $0x50  }
0x7f: {  	[sflag:s19] =	ssyncset.done $0x0  }
0x80: {  	s0 =	sadd.s32 $0x14, s7;
	[sflag:s19] =	ssyncadd.s32 $0xFFFFFFB0  }
0x81: {  	[tilespmem:s20], [sflag:$0x3] =	stream.linear.gather [hbm4b:s0+s3], $0x50, $0x38;
	[tilespmem:$0x18A80] =	vst v63  }
0x82: {  	_ =	swait.ge [sflag:s19], $0x50  }
0x83: {  	[sflag:s19] =	ssyncset.done $0x0  }
0x84: {  	[sflag:s19] =	ssyncadd.s32 $0xFFFFFFB0  }
0x85: {  	[tilespmem:s22], [sflag:$0x1] =	stream.indirect.gather [hbm4b:s4+s21], $0x80, s3, s21, $0xb8;
	[tilespmem:$0x18A80] =	vst v63  }
0x86: {  	_ =	swait.ge [sflag:s28], $0x2800  }
0x87: {  	[sflag:s28] =	ssyncset.done $0x0  }
0x88: {  	[sflag:s28] =	ssyncadd.s32 $0xFFFFD800  }
0x89: {  	[spmem:s1] =	stream.indirect.scatter.add.f32 [tilespmem:s25], [sflag:$0x3], $0x80, s24, s21, $0xb8;
	[tilespmem:$0x18A80] =	vst v63  }
0x8a: {  	_ =	swait.ge [sflag:s19], $0x2800  }
0x8b: {  	[sflag:s19] =	ssyncset.done $0x0  }
0x8c: {  	[sflag:s19] =	ssyncadd.s32 $0xFFFFD800  }
0x8d: {  	_ =	swait.ge [sflag:s26], $0x2800  }
0x8e: {  	[sflag:s26] =	ssyncset.done $0x0  }
0x8f: {  	[sflag:s26] =	ssyncadd.s32 $0xFFFFD800  }
0x90: {  	[spmem:s1] =	stream.indirect.scatter.add.f32 [tilespmem:s22], [sflag:$0x3], $0x80, s20, s21, $0xb8;
	[tilespmem:$0x18A80] =	vst v63  }
0x91: {  	_ =	swait.ge [sflag:s19], $0x2800  }
0x92: {  	[sflag:s19] =	ssyncset.done $0x0  }
0x93: {  	[sflag:s19] =	ssyncadd.s32 $0xFFFFD800  }
0x94: {  	s0 =	simm.s32 @p0 $0x1FC3;
	[bflag:$0x0] =	sbarrier.arrive $0xFFFF  }
0x95: {  	[hbm:s11], [sflag:s0] =	dma.local @p0 [spmem:s16], $0x2800  }
0x96: {  	s0 =	simm.s32 @p0 $0x3  }
0x97: {  	s29 =	sadd.s32 $0x1, s29;
	_ =	swait.ge @p0 [sflag:s0], $0x2800  }
0x98: {  	p1 =	sne.s32 s29, s12;
	[sflag:s0] =	ssyncset.done @p0 $0x0  }
.Ltmp1:
0x99: {  	[sflag:s0] =	ssyncadd.s32 @p0 $0xFFFFD800;
	s0 =	simm.s32 @!p0 $0x3;
	(pc) =	sbr.rel @p1 .LBB2_1-.Ltmp1, $4  }
0x9a: {  	[hbm:s10], [sflag:s17] =	dma.local @!p0 [spmem:s18], $0x2700  }
0x9b: {  	_ =	swait.ge @!p0 [sflag:s0], $0x2700  }
0x9c: {  	[sflag:s0] =	ssyncset.done @!p0 $0x0  }
0x9d: {  	[sflag:s0] =	ssyncadd.s32 @!p0 $0xFFFFD900  }
0x9e: {  	_ =	sfence.sel $0x180000  }
0x9f: {  	[bflag:$0x0] =	sbarrier.arrive $0xFFFF  }
0xa0: {  	_ =	strace $0x9000004A  }
0xa1: {  	s0 =	stileid.u32;
	[bflag:$0x2] =	sbarrier.arrive $0xFFFF  }
0xa2: {  	p0 =	sne.s32 s0, $0x0;
	s0 =	rddreg [dreg:$0x2]  }
0xa3: {  	s0 =	sadd.s32 @!p0 $0x100000, s0  }
0xa4: {  	[sflag:s0] =	ssyncadd.tile.s32 @!p0 $0x1;
	_ =	shalt  }
.Lfunc_end2:
_tile_overlayer_lowered:
.L_overlay_start_2:
0xa5: {  	(tag) =	ssettag $0x2  }
0xa6: {  	s0 =	rddreg [dreg:$0x0];
	s2 =	stileid.u32  }
0xa7: {  	s1 =	rddreg [dreg:$0x1];
	p0 =	sne.s32 s2, $0x0  }
0xa8: {  	s3 =	rddreg [dreg:$0x2];
	[bflag:$0x3] =	sbarrier.arrive $0xFFFF;
	s2 =	simm.s32 @!p0 $0x1C03  }
0xa9: {  	[timem:s3], [sflag:s2] =	dma.local @!p0 [hbm:s0], s1  }
0xaa: {  	s0 =	simm.s32 @!p0 $0x3  }
0xab: {  	_ =	swait.ge @!p0 [sflag:s0], s1  }
0xac: {  	s1 =	ssub.s32 @!p0 $0x0, s1;
	[sflag:s0] =	ssyncset.done @!p0 $0x0  }
0xad: {  	[sflag:s0] =	ssyncadd.s32 @!p0 s1  }
0xae: {  	[bflag:$0x3] =	sbarrier.arrive $0xFFFF  }
0xaf: {  	_ =	shalt  }

// kernel: kernel.21.cloned.1.call-start
scs
__scs_entry_jumppad:
0x0: {  	(pc) =	sbr.rel $0x88, $3  }
0x1: {  	(tag) =	ssettag $0x0;
	lr =	simm.s32 $0x1  }
0x2: {  	[smem:$0x3F91] =	sst lr;
	_ =	strace $0xD0000000  }
0x3: {  	_ = 	snop  }
0x4: {  	_ = 	snop  }
0x5: {  	_ = 	snop  }
0x6: {  	_ = 	snop  }
0x7: {  	_ = 	snop  }
__scs_overlays_trampoline_lowered:
0x8: {  	[smem:$0x3FA0] =	sst s0  }
0x9: {  	[smem:$0x3FA1] =	sst s1  }
0xa: {  	[smem:$0x3FA2] =	sst s2  }
0xb: {  	[smem:$0x3FA3] =	sst s3  }
0xc: {  	[smem:$0x3FA4] =	sst s4  }
0xd: {  	[smem:$0x3FA5] =	sst s5  }
0xe: {  	[smem:$0x3FA6] =	sst s6  }
0xf: {  	[smem:$0x3FA7] =	sst s7  }
0x10: {  	[smem:$0x3FA8] =	sst s8  }
0x11: {  	[smem:$0x3FA9] =	sst s9;
	s0 =	simm.s32 @!p0 $0x0  }
0x12: {  	s1 =	sld [smem:$0x3F8F];
	s0 =	simm.s32 @p0 $0x1  }
0x13: {  	[smem:$0x3FAA] =	sst s0;
	s0 =	simm.s32 @!p1 $0x0  }
0x14: {  	s2 =	sld [smem:$0x3F8E];
	s0 =	simm.s32 @p1 $0x1  }
0x15: {  	[smem:$0x3FAB] =	sst s0;
	s0 =	simm.s32 @!p2 $0x0  }
0x16: {  	s3 =	sld [smem:$0x3FDB];
	s0 =	simm.s32 @p2 $0x1  }
0x17: {  	s4 =	simm.s32 $0x1BF5;
	[smem:$0x3FAD] =	sst s0  }
0x18: {  	s0 =	sld [smem:$0x3F90];
	_ =	swait.ge [sflag:s4], $0x0  }
0x19: {  	s7 =	sld [smem:$0x3F91]  }
0x1a: {  	s8 =	sadd.s32 $0xFFFFE003, lr  }
0x1b: {  	s9 =	sadd.s32 $0xFFFFFEF7, lr;
	s5 =	simm.s32 $0xFFFFFFFF;
	p2 =	slt.u32 s8, $0xFFFFF086  }
0x1c: {  	p1 =	slt.u32 s9, $0xF7A;
	s5 =	simm.s32 @!p2 $0x0  }
0x1d: {  	s5 =	simm.s32 @p1 $0x1;
	p0 =	seq.s32 s7, s2  }
0x1e: {  	s7 =	smul.u32 @!p0 $0xF7A, s2;
	p2 =	seq.s32 @!p0 s5, $0x0  }
0x1f: {  	s9 =	smul.u32 $0xF7A, s1;
	s8 =	simm.s32 @!p0 $0x1BF5;
	p2 =	por !p2, p0  }
0x20: {  	[sflag:s8] =	ssyncset.s32 @!p0 $0xFFFFF086;
	s6 =	sadd.s32 @!p0 s3, s7;
	s7 =	simm.s32 @!p0 $0x108  }
0x21: {  	s3 =	sadd.s32 s3, s9;
	s6 =	sadd.s32 @!p0 $0x88, s6;
	s7 =	simm.s32 @p2 $0x1082  }
0x22: {  	[simem:s7], [sflag:s8] =	dma.local @!p0 [hbm:s6], $0xF7A  }
0x23: {  	s9 =	sor.u32 $0xD0000000, s2;
	s6 =	simm.s32 $0x108;
	_ =	swait.ge @!p0 [sflag:s8], $0x0  }
0x24: {  	s3 =	sadd.s32 $0x88, s3;
	s6 =	simm.s32 @!p1 $0x1082;
	[sflag:s4] =	ssyncset.s32 $0xFFFFF086  }
0x25: {  	[simem:s6], [sflag:s4] =	dma.local [hbm:s3], $0xF7A  }
0x26: {  	[smem:$0x3F91] =	sst s1;
	(tag) =	ssettag s2;
	_ =	strace s9  }
0x27: {  	s1 =	sld [smem:$0x3FA1]  }
0x28: {  	s2 =	sld [smem:$0x3FA2]  }
0x29: {  	s4 =	sld [smem:$0x3FA4]  }
0x2a: {  	p0 =	seq.s32 s5, $0x0;
	s5 =	sld [smem:$0x3FA5]  }
0x2b: {  	s6 =	sld [smem:$0x3FA6]  }
0x2c: {  	s7 =	sld [smem:$0x3FA7]  }
0x2d: {  	s3 =	simm.s32 $0x108;
	s8 =	sld [smem:$0x3FA8]  }
0x2e: {  	s3 =	simm.s32 @!p0 $0x1082;
	s9 =	sld [smem:$0x3FA9]  }
0x2f: {  	lr =	sadd.s32 s0, s3;
	s0 =	sld [smem:$0x3FA0]  }
0x30: {  	s3 =	sld [smem:$0x3FA3]  }
0x31: {  	[smem:$0x3FAC] =	sst s10  }
0x32: {  	s10 =	sld [smem:$0x3FAA];
	_ =	sdelay $0x3  }
0x33: {  	p0 =	seq.s32 s10, $0x1;
	s10 =	sld [smem:$0x3FAC];
	_ =	sdelay $0x3  }
0x34: {  	[smem:$0x3FAC] =	sst s10  }
0x35: {  	s10 =	sld [smem:$0x3FAB];
	_ =	sdelay $0x3  }
0x36: {  	p1 =	seq.s32 s10, $0x1;
	s10 =	sld [smem:$0x3FAC];
	_ =	sdelay $0x3  }
0x37: {  	[smem:$0x3FAC] =	sst s10  }
0x38: {  	s10 =	sld [smem:$0x3FAD]  }
0x39: {  	_ = 	snop;
	(pc) =	sbr.ind lr, $3  }
0x3a: {  	_ = 	snop  }
0x3b: {  	_ = 	snop  }
0x3c: {  	p2 =	seq.s32 s10, $0x1;
	s10 =	sld [smem:$0x3FAC]  }
0x3d: {  	_ =	shalt  }
0x3e: {  	_ =	shalt  }
0x3f: {  	_ =	shalt  }
0x40: {  	_ =	shalt  }
0x41: {  	_ =	shalt  }
0x42: {  	_ =	shalt  }
0x43: {  	_ =	shalt  }
0x44: {  	_ =	shalt  }
0x45: {  	_ =	shalt  }
0x46: {  	_ =	shalt  }
0x47: {  	_ =	shalt  }
0x48: {  	_ =	shalt  }
0x49: {  	_ =	shalt  }
0x4a: {  	_ =	shalt  }
0x4b: {  	_ =	shalt  }
0x4c: {  	_ =	shalt  }
0x4d: {  	_ =	shalt  }
0x4e: {  	_ =	shalt  }
0x4f: {  	_ =	shalt  }
0x50: {  	_ =	shalt  }
0x51: {  	_ =	shalt  }
0x52: {  	_ =	shalt  }
0x53: {  	_ =	shalt  }
0x54: {  	_ =	shalt  }
0x55: {  	_ =	shalt  }
0x56: {  	_ =	shalt  }
0x57: {  	_ =	shalt  }
0x58: {  	_ =	shalt  }
0x59: {  	_ =	shalt  }
0x5a: {  	_ =	shalt  }
0x5b: {  	_ =	shalt  }
0x5c: {  	_ =	shalt  }
0x5d: {  	_ =	shalt  }
0x5e: {  	_ =	shalt  }
0x5f: {  	_ =	shalt  }
0x60: {  	_ =	shalt  }
0x61: {  	_ =	shalt  }
0x62: {  	_ =	shalt  }
0x63: {  	_ =	shalt  }
0x64: {  	_ =	shalt  }
0x65: {  	_ =	shalt  }
0x66: {  	_ =	shalt  }
0x67: {  	_ =	shalt  }
0x68: {  	_ =	shalt  }
0x69: {  	_ =	shalt  }
0x6a: {  	_ =	shalt  }
0x6b: {  	_ =	shalt  }
0x6c: {  	_ =	shalt  }
0x6d: {  	_ =	shalt  }
0x6e: {  	_ =	shalt  }
0x6f: {  	_ =	shalt  }
0x70: {  	_ =	shalt  }
0x71: {  	_ =	shalt  }
0x72: {  	_ =	shalt  }
0x73: {  	_ =	shalt  }
0x74: {  	_ =	shalt  }
0x75: {  	_ =	shalt  }
0x76: {  	_ =	shalt  }
0x77: {  	_ =	shalt  }
0x78: {  	_ =	shalt  }
0x79: {  	_ =	shalt  }
0x7a: {  	_ =	shalt  }
0x7b: {  	_ =	shalt  }
0x7c: {  	_ =	shalt  }
0x7d: {  	_ =	shalt  }
0x7e: {  	_ =	shalt  }
0x7f: {  	_ =	shalt  }
0x80: {  	_ =	shalt  }
0x81: {  	_ =	shalt  }
0x82: {  	_ =	shalt  }
0x83: {  	_ =	shalt  }
0x84: {  	_ =	shalt  }
0x85: {  	_ =	shalt  }
0x86: {  	_ =	shalt  }
0x87: {  	_ =	shalt  }
.Lfunc_end0:
.L_simem_size_0:
called_computation.2_lowered:
.L_overlay_start_0:
0x88: {  	s2 =	sld [smem:$0x3FD9]  }
0x89: {  	s3 =	sld [smem:$0x3FFE];
	_ =	sdelay $0x1  }
0x8a: {  	s1 =	srdreg.scid  }
0x8b: {  	s0 =	sand.u32 $0x1, s1  }
0x8c: {  	s16 =	sshll.u32 s0, $0xA;
	s2 =	sadd.s32 s3, s2  }
0x8d: {  	s2 =	sadd.s32 s2, s16  }
0x8e: {  	[smem:$0x3FB8] =	sst s2  }
0x8f: {  	_ = 	snop  }
0x90: {  	(tm) =	ssettm $0x1  }
0x91: {  	s17 =	sld [smem:$0x3FFB];
	_ =	sdelay $0x3  }
0x92: {  	_ =	strace s17  }
0x93: {  	s2 =	sld [smem:$0x3FFC];
	_ =	sdelay $0x3  }
0x94: {  	_ =	strace s2  }
0x95: {  	s2 =	sld [smem:$0x3FFD];
	_ =	sdelay $0x3  }
0x96: {  	_ =	strace s2  }
0x97: {  	_ =	strace $0x8FFFFFFF  }
0x98: {  	s18 =	sld [smem:$0x3FDB];
	_ =	sdelay $0x1  }
0x99: {  	s19 =	simm.s32 $_scs_section_size  }
0x9a: {  	s4 =	simm.s32 $_size__tile_overlayer_lowered;
	s5 =	simm.s32 $_tile_overlayer_lowered  }
0x9b: {  	s22 =	simm.s32 $0x1BFF;
	s21 =	sshll.u32 s5, $0x1;
	s2 =	sadd.s32 s19, s18  }
0x9c: {  	s6 =	simm.s32 $0x0;
	s20 =	sshll.u32 s4, $0x1;
	s4 =	sadd.s32 s21, s2  }
0x9d: {  	[timem:s6], [sflag:s22] =	dma.local [hbm:s4], s20  }
0x9e: {  	_ =	swait.ge [sflag:s22], s20  }
0x9f: {  	s3 =	ssub.s32 $0x0, s20;
	[sflag:s22] =	ssyncset.done $0x0  }
0xa0: {  	[sflag:s22] =	ssyncadd.s32 s3;
	_ =	sdelay $0x1  }
0xa1: {  	s23 =	simm.s32 $0x1B8B  }
0xa2: {  	_ =	swait.ge [sflag:s23], $0x1  }
0xa3: {  	[sflag:s23] =	ssyncset.done $0x0  }
0xa4: {  	s25 =	simm.s32 $0x1B8E;
	s24 =	sld [smem:$0x3FFE];
	[sflag:s23] =	ssyncadd.s32 $0xFFFFFFFF  }
0xa5: {  	s26 =	simm.s32 $execute0_lowered;
	[smem:$0x3FD2] =	sst s25  }
0xa6: {  	s4 =	sshll.u32 s26, $0x1;
	_ =	strace $0x8000004C;
	[dreg:$0x1] =	wrdreg $0xFFFFFFFF  }
0xa7: {  	s28 =	simm.s32 $_size_execute0_lowered;
	s2 =	sadd.s32 s2, s4;
	[dreg:$0x0] =	wrdreg $0x0  }
0xa8: {  	s4 =	sshll.u32 s28, $0x1;
	[dreg:$0x2] =	wrdreg s2  }
0xa9: {  	[dreg:$0x3] =	wrdreg s4  }
0xaa: {  	[dreg:$0x4] =	wrdreg $0xC0  }
0xab: {  	_ =	task [dreg:s6], $0x5FFFF  }
0xac: {  	[dreg:$0x1] =	wrdreg $0xFFFFFFFF  }
0xad: {  	[dreg:$0x0] =	wrdreg $0x60  }
0xae: {  	[dreg:$0x2] =	wrdreg s24  }
0xaf: {  	[dreg:$0x3] =	wrdreg $0x52000  }
0xb0: {  	[dreg:$0x4] =	wrdreg $0x9  }
0xb1: {  	_ =	task.clear_ibuf [dreg:s6], $0x5FFFF;
	_ =	strace $0x9000004C  }
0xb2: {  	s29 =	simm.s32 $0x9;
	_ =	strace $0x8000004E  }
0xb3: {  	_ =	swait.ge [sflag:s29], $0x1  }
0xb4: {  	[sflag:s29] =	ssyncadd.s32 $0xFFFFFFFF  }
0xb5: {  	_ =	strace $0x9000004E  }
0xb6: {  	_ =	sfence  }
0xb7: {  	s30 =	sld [smem:$0x0];
	_ =	sdelay $0x2  }
0xb8: {  	s31 =	sshll.u32 s1, $0xD;
	s1 =	sshrl.u32 s1, $0x2  }
0xb9: {  	s3 =	sand.u32 $0x4000, s31;
	s1 =	sadd.s32 s1, s30  }
0xba: {  	s0 =	sor.u32 s3, s0;
	s1 =	sshll.u32 s1, $0x11  }
0xbb: {  	s0 =	sor.u32 s1, s0  }
0xbc: {  	s0 =	sadd.s32 $0x8F2B, s0  }
0xbd: {  	[sflag:s0] =	ssyncadd.remote.s32 $0x1  }
0xbe: {  	_ =	sfence.sel $0xFFFF  }
0xbf: {  	[dreg:$0x0] =	wrdreg $0xFFFFFFFF;
	(pc) =	sbr.abs _section_cstart, $3  }
0xc0: {  	[dreg:$0x1] =	wrdreg $0xFFFFFFFF  }
0xc1: {  	_ =	task.clear_ibuf [dreg:s6], $0x2FFFF;
	_ =	strace $0x9FFFFFFF  }
0xc2: {  	(tm) =	ssettm $0x7FFFFFFF  }
0xc3: {  	_ =	shalt  }
tec
execute0_lowered:
.L_overlay_start_1:
0x0: {  	(tag) =	ssettag $0x1  }
0x1: {  	s0 =	rddreg [dreg:$0x0]  }
0x2: {  	s1 =	rddreg [dreg:$0x1];
	s3 =	simm.s32 $0x0  }
0x3: {  	s19 =	stileid.u32;
	s6 =	srdreg.scid;
	s28 =	simm.s32 $0x2  }
0x4: {  	s29 =	simm.s32 $0x0;
	[smem:$0x7FF] =	sst s3;
	s2 =	smul.u32 $0x2700, s19  }
0x5: {  	s4 =	sadd.s32 $0x15600, s0;
	s5 =	sadd.s32 $0xB800, s0;
	s16 =	smul.u32 $0x4E000, s19  }
0x6: {  	s14 =	sadd.s32 $0x6800, s0;
	s7 =	sand.u32 $0x1, s6;
	s12 =	smul.u32 $0x2710, s19  }
0x7: {  	s13 =	sadd.s32 $0x8AA00, s0;
	s26 =	smul.u32 $0x4E2, s19;
	p0 =	seq.s32 s19, $0xF  }
0x8: {  	_ =	strace $0x8000004D;
	s9 =	ssub.s32 $0x2, s7;
	s10 =	smul.u32 $0x27100, s7  }
0x9: {  	s20 =	smul.u32 $0x138800, s7;
	s8 =	sadd.s32 s2, s0;
	s11 =	sshrl.u32 s9, $0x1  }
0xa: {  	s6 =	sshrl.u32 s16, $0x2;
	s0 =	sadd.s32 $0x88100, s0;
	s22 =	sshrl.u32 s12, $0x3  }
0xb: {  	s15 =	ssub.s32 s9, s11;
	s18 =	sadd.s32 s6, s1;
	s17 =	sadd.s32 $0x63800, s8  }
0xc: {  	s16 =	sadd.s32 s12, s10;
	[dreg:$0x4] =	wrdreg s0;
	s23 =	sshrl.u32 s20, $0x3  }
0xd: {  	s9 =	sadd.s32 s14, s22;
	s24 =	sadd.s32 s2, s10;
	s14 =	sadd.s32 s26, s14  }
0xe: {  	s0 =	sshll.u32 @!p0 s19, $0x6;
	s19 =	simm.s32 $0x3;
	s20 =	simm.s32 $0x100  }
0xf: {  	s22 =	simm.s32 $0x200;
	s26 =	simm.s32 $0x1;
	[dreg:$0x3] =	wrdreg s17  }
0x10: {  	s17 =	sadd.s32 $0x124800, s1;
	s21 =	sshrl.u32 s16, $0x3;
	s25 =	sadd.s32 s13, s23  }
0x11: {  	s10 =	sadd.s32 s13, s24;
	s12 =	smax.u32 s15, $0x1;
	s13 =	sadd.s32 $0xA0, s16  }
0x12: {  	s30 =	sadd.s32 $0x50, s16;
	s18 =	sshrl.u32 @!p0 s18, $0x3;
	s23 =	simm.s32 $0x80  }
0x13: {  	s24 =	simm.s32 $0x180;
	s8 =	sadd.s32 s5, s21;
	s11 =	sadd.s32 $0x24900, s25  }
0x14: {  	s31 =	sshrl.u32 s30, $0x3;
	s16 =	sshrl.u32 @p0 s17, $0x3;
	s17 =	sor.u32 @!p0 $0x1C03, s0  }
0x15: {  	s21 =	simm.s32 $0x50;
	s25 =	simm.s32 $0x2A00;
	s15 =	sadd.s32 s31, s5  }
.LBB2_1:
0x16: {  	s0 =	simm.s32 @p0 $0x1FC3;
	s2 =	rddreg [dreg:$0x4]  }
0x17: {  	[spmem:s16], [sflag:s0] =	dma.local @p0 [hbm:s2], $0x2800  }
0x18: {  	s0 =	simm.s32 @p0 $0x3  }
0x19: {  	_ =	swait.ge @p0 [sflag:s0], $0x2800  }
0x1a: {  	[sflag:s0] =	ssyncset.done @p0 $0x0  }
0x1b: {  	[sflag:s0] =	ssyncadd.s32 @p0 $0xFFFFD800;
	s0 =	rddreg [dreg:$0x3]  }
0x1c: {  	[spmem:s18], [sflag:s17] =	dma.local @!p0 [hbm:s0], $0x2700  }
0x1d: {  	s0 =	simm.s32 @!p0 $0x3  }
0x1e: {  	_ =	swait.ge @!p0 [sflag:s0], $0x2700  }
0x1f: {  	[sflag:s0] =	ssyncset.done @!p0 $0x0  }
0x20: {  	[sflag:s0] =	ssyncadd.s32 @!p0 $0xFFFFD900  }
0x21: {  	[bflag:$0x0] =	sbarrier.arrive $0xFFFF  }
0x22: {  	[tilespmem:s3], [sflag:$0x3] =	stream.linear.gather [hbm4b:s8+s3], $0x50, $0x38;
	[tilespmem:$0x18A80] =	vst v63  }
0x23: {  	_ =	swait.ge [sflag:s19], $0x50  }
0x24: {  	[sflag:s19] =	ssyncset.done $0x0  }
0x25: {  	[sflag:s19] =	ssyncadd.s32 $0xFFFFFFB0  }
0x26: {  	[tilespmem:s20], [sflag:$0x3] =	stream.linear.gather [hbm4b:s9+s3], $0x50, $0x38;
	[tilespmem:$0x18A80] =	vst v63  }
0x27: {  	_ =	swait.ge [sflag:s19], $0x50  }
0x28: {  	[sflag:s19] =	ssyncset.done $0x0  }
0x29: {  	[sflag:s19] =	ssyncadd.s32 $0xFFFFFFB0  }
0x2a: {  	[tilespmem:s22], [sflag:$0x1] =	stream.indirect.gather [hbm4b:s4+s21], $0x80, s3, s21, $0xb8;
	[tilespmem:$0x18A80] =	vst v63  }
0x2b: {  	s2 =	sadd.s32 $0x0, s15  }
0x2c: {  	[tilespmem:s23], [sflag:$0x3] =	stream.linear.gather [hbm4b:s2+s3], $0x50, $0x38;
	[tilespmem:$0x18A80] =	vst v63  }
0x2d: {  	_ =	swait.ge [sflag:s19], $0x50  }
0x2e: {  	s0 =	sadd.s32 $0x0, s14;
	[sflag:s19] =	ssyncset.done $0x0  }
0x2f: {  	s6 =	sadd.s32 $0xA, s0;
	[sflag:s19] =	ssyncadd.s32 $0xFFFFFFB0  }
0x30: {  	[tilespmem:s24], [sflag:$0x3] =	stream.linear.gather [hbm4b:s6+s3], $0x50, $0x38;
	[tilespmem:$0x18A80] =	vst v63  }
0x31: {  	_ =	swait.ge [sflag:s19], $0x50  }
0x32: {  	[sflag:s19] =	ssyncset.done $0x0  }
0x33: {  	[sflag:s19] =	ssyncadd.s32 $0xFFFFFFB0  }
0x34: {  	[tilespmem:s25], [sflag:$0x2] =	stream.indirect.gather [hbm4b:s4+s21], $0x80, s23, s21, $0xb8;
	[tilespmem:$0x18A80] =	vst v63  }
0x35: {  	_ =	swait.ge [sflag:s26], $0x2800  }
0x36: {  	[sflag:s26] =	ssyncset.done $0x0  }
0x37: {  	[sflag:s26] =	ssyncadd.s32 $0xFFFFD800  }
0x38: {  	[spmem:s1] =	stream.indirect.scatter.add.f32 [tilespmem:s22], [sflag:$0x3], $0x80, s20, s21, $0xb8;
	[tilespmem:$0x18A80] =	vst v63  }
0x39: {  	_ =	swait.ge [sflag:s19], $0x2800  }
0x3a: {  	s7 =	sshrl.u32 s13, $0x3;
	[sflag:s19] =	ssyncset.done $0x0  }
0x3b: {  	s2 =	sadd.s32 s5, s7;
	[sflag:s19] =	ssyncadd.s32 $0xFFFFD800  }
0x3c: {  	[tilespmem:s3], [sflag:$0x3] =	stream.linear.gather [hbm4b:s2+s3], $0x50, $0x38;
	[tilespmem:$0x18A80] =	vst v63  }
0x3d: {  	_ =	swait.ge [sflag:s19], $0x50  }
0x3e: {  	[sflag:s19] =	ssyncset.done $0x0  }
0x3f: {  	s0 =	sadd.s32 $0x14, s0;
	[sflag:s19] =	ssyncadd.s32 $0xFFFFFFB0  }
0x40: {  	[tilespmem:s20], [sflag:$0x3] =	stream.linear.gather [hbm4b:s0+s3], $0x50, $0x38;
	[tilespmem:$0x18A80] =	vst v63  }
0x41: {  	_ =	swait.ge [sflag:s19], $0x50  }
0x42: {  	[sflag:s19] =	ssyncset.done $0x0  }
0x43: {  	[sflag:s19] =	ssyncadd.s32 $0xFFFFFFB0  }
0x44: {  	[tilespmem:s22], [sflag:$0x1] =	stream.indirect.gather [hbm4b:s4+s21], $0x80, s3, s21, $0xb8;
	[tilespmem:$0x18A80] =	vst v63  }
0x45: {  	_ =	swait.ge [sflag:s28], $0x2800  }
0x46: {  	[sflag:s28] =	ssyncset.done $0x0  }
0x47: {  	[sflag:s28] =	ssyncadd.s32 $0xFFFFD800  }
0x48: {  	[spmem:s1] =	stream.indirect.scatter.add.f32 [tilespmem:s25], [sflag:$0x3], $0x80, s24, s21, $0xb8;
	[tilespmem:$0x18A80] =	vst v63  }
0x49: {  	s31 =	simm.s32 $0x14;
	_ =	swait.ge [sflag:s19], $0x2800  }
0x4a: {  	s30 =	sadd.s32 $0xA0, s13;
	s0 =	simm.s32 $0x28;
	[sflag:s19] =	ssyncset.done $0x0  }
.LBB2_2:
0x4b: {  	s6 =	sadd.s32 s31, s15  }
0x4c: {  	[sflag:s19] =	ssyncadd.s32 $0xFFFFD800;
	s7 =	smov.u32 s0;
	s2 =	sadd.s32 $0x14, s0  }
0x4d: {  	[tilespmem:s23], [sflag:$0x3] =	stream.linear.gather [hbm4b:s6+s3], $0x50, $0x38;
	[tilespmem:$0x18A80] =	vst v63  }
0x4e: {  	p1 =	sne.s32 s0, $0x4C4;
	_ =	swait.ge [sflag:s19], $0x50  }
0x4f: {  	s0 =	sadd.s32 s31, s14;
	s31 =	smov.u32 s7;
	[sflag:s19] =	ssyncset.done $0x0  }
0x50: {  	s6 =	sadd.s32 $0xA, s0;
	[sflag:s19] =	ssyncadd.s32 $0xFFFFFFB0  }
0x51: {  	[tilespmem:s24], [sflag:$0x3] =	stream.linear.gather [hbm4b:s6+s3], $0x50, $0x38;
	[tilespmem:$0x18A80] =	vst v63  }
0x52: {  	_ =	swait.ge [sflag:s19], $0x50  }
0x53: {  	[sflag:s19] =	ssyncset.done $0x0  }
0x54: {  	[sflag:s19] =	ssyncadd.s32 $0xFFFFFFB0  }
0x55: {  	[tilespmem:s25], [sflag:$0x2] =	stream.indirect.gather [hbm4b:s4+s21], $0x80, s23, s21, $0xb8;
	[tilespmem:$0x18A80] =	vst v63  }
0x56: {  	_ =	swait.ge [sflag:s26], $0x2800  }
0x57: {  	[sflag:s26] =	ssyncset.done $0x0  }
0x58: {  	[sflag:s26] =	ssyncadd.s32 $0xFFFFD800  }
0x59: {  	[spmem:s1] =	stream.indirect.scatter.add.f32 [tilespmem:s22], [sflag:$0x3], $0x80, s20, s21, $0xb8;
	[tilespmem:$0x18A80] =	vst v63  }
0x5a: {  	_ =	swait.ge [sflag:s19], $0x2800  }
0x5b: {  	s6 =	sshrl.u32 s30, $0x3;
	[sflag:s19] =	ssyncset.done $0x0  }
0x5c: {  	s6 =	sadd.s32 s5, s6;
	[sflag:s19] =	ssyncadd.s32 $0xFFFFD800  }
0x5d: {  	[tilespmem:s3], [sflag:$0x3] =	stream.linear.gather [hbm4b:s6+s3], $0x50, $0x38;
	[tilespmem:$0x18A80] =	vst v63  }
0x5e: {  	_ =	swait.ge [sflag:s19], $0x50  }
0x5f: {  	[sflag:s19] =	ssyncset.done $0x0  }
0x60: {  	s0 =	sadd.s32 $0x14, s0;
	[sflag:s19] =	ssyncadd.s32 $0xFFFFFFB0  }
0x61: {  	[tilespmem:s20], [sflag:$0x3] =	stream.linear.gather [hbm4b:s0+s3], $0x50, $0x38;
	[tilespmem:$0x18A80] =	vst v63  }
0x62: {  	_ =	swait.ge [sflag:s19], $0x50  }
0x63: {  	[sflag:s19] =	ssyncset.done $0x0  }
0x64: {  	[sflag:s19] =	ssyncadd.s32 $0xFFFFFFB0  }
0x65: {  	[tilespmem:s22], [sflag:$0x1] =	stream.indirect.gather [hbm4b:s4+s21], $0x80, s3, s21, $0xb8;
	[tilespmem:$0x18A80] =	vst v63  }
0x66: {  	_ =	swait.ge [sflag:s28], $0x2800  }
.Ltmp0:
0x67: {  	[sflag:s28] =	ssyncset.done $0x0;
	(pc) =	sbr.rel @p1 .LBB2_2-.Ltmp0, $4  }
0x68: {  	[sflag:s28] =	ssyncadd.s32 $0xFFFFD800  }
0x69: {  	[spmem:s1] =	stream.indirect.scatter.add.f32 [tilespmem:s25], [sflag:$0x3], $0x80, s24, s21, $0xb8;
	[tilespmem:$0x18A80] =	vst v63  }
0x6a: {  	_ =	swait.ge [sflag:s19], $0x2800  }
0x6b: {  	s30 =	sadd.s32 $0xA0, s30;
	s0 =	smov.u32 s2;
	[sflag:s19] =	ssyncset.done $0x0  }
0x6c: {  	s0 =	sadd.s32 s31, s15;
	[sflag:s19] =	ssyncadd.s32 $0xFFFFD800  }
0x6d: {  	[tilespmem:s23], [sflag:$0x3] =	stream.linear.gather [hbm4b:s0+s3], $0x50, $0x38;
	[tilespmem:$0x18A80] =	vst v63  }
0x6e: {  	_ =	swait.ge [sflag:s19], $0x50  }
0x6f: {  	s7 =	sadd.s32 s31, s14;
	[sflag:s19] =	ssyncset.done $0x0  }
0x70: {  	s2 =	sadd.s32 $0xA, s7;
	[sflag:s19] =	ssyncadd.s32 $0xFFFFFFB0  }
0x71: {  	[tilespmem:s24], [sflag:$0x3] =	stream.linear.gather [hbm4b:s2+s3], $0x50, $0x38;
	[tilespmem:$0x18A80] =	vst v63  }
0x72: {  	_ =	swait.ge [sflag:s19], $0x50  }
0x73: {  	[sflag:s19] =	ssyncset.done $0x0  }
0x74: {  	[sflag:s19] =	ssyncadd.s32 $0xFFFFFFB0  }
0x75: {  	[tilespmem:s25], [sflag:$0x2] =	stream.indirect.gather [hbm4b:s4+s21], $0x80, s23, s21, $0xb8;
	[tilespmem:$0x18A80] =	vst v63  }
0x76: {  	_ =	swait.ge [sflag:s26], $0x2800  }
0x77: {  	[sflag:s26] =	ssyncset.done $0x0  }
0x78: {  	[sflag:s26] =	ssyncadd.s32 $0xFFFFD800  }
0x79: {  	[spmem:s1] =	stream.indirect.scatter.add.f32 [tilespmem:s22], [sflag:$0x3], $0x80, s20, s21, $0xb8;
	[tilespmem:$0x18A80] =	vst v63  }
0x7a: {  	_ =	swait.ge [sflag:s19], $0x2800  }
0x7b: {  	s31 =	sshrl.u32 s30, $0x3;
	[sflag:s19] =	ssyncset.done $0x0  }
0x7c: {  	s2 =	sadd.s32 s5, s31;
	[sflag:s19] =	ssyncadd.s32 $0xFFFFD800  }
0x7d: {  	[tilespmem:s3], [sflag:$0x3] =	stream.linear.gather [hbm4b:s2+s3], $0x50, $0x38;
	[tilespmem:$0x18A80] =	vst v63  }
0x7e: {  	_ =	swait.ge [sflag:s19], $0x50  }
0x7f: {  	[sflag:s19] =	ssyncset.done $0x0  }
0x80: {  	s0 =	sadd.s32 $0x14, s7;
	[sflag:s19] =	ssyncadd.s32 $0xFFFFFFB0  }
0x81: {  	[tilespmem:s20], [sflag:$0x3] =	stream.linear.gather [hbm4b:s0+s3], $0x50, $0x38;
	[tilespmem:$0x18A80] =	vst v63  }
0x82: {  	_ =	swait.ge [sflag:s19], $0x50  }
0x83: {  	[sflag:s19] =	ssyncset.done $0x0  }
0x84: {  	[sflag:s19] =	ssyncadd.s32 $0xFFFFFFB0  }
0x85: {  	[tilespmem:s22], [sflag:$0x1] =	stream.indirect.gather [hbm4b:s4+s21], $0x80, s3, s21, $0xb8;
	[tilespmem:$0x18A80] =	vst v63  }
0x86: {  	_ =	swait.ge [sflag:s28], $0x2800  }
0x87: {  	[sflag:s28] =	ssyncset.done $0x0  }
0x88: {  	[sflag:s28] =	ssyncadd.s32 $0xFFFFD800  }
0x89: {  	[spmem:s1] =	stream.indirect.scatter.add.f32 [tilespmem:s25], [sflag:$0x3], $0x80, s24, s21, $0xb8;
	[tilespmem:$0x18A80] =	vst v63  }
0x8a: {  	_ =	swait.ge [sflag:s19], $0x2800  }
0x8b: {  	[sflag:s19] =	ssyncset.done $0x0  }
0x8c: {  	[sflag:s19] =	ssyncadd.s32 $0xFFFFD800  }
0x8d: {  	_ =	swait.ge [sflag:s26], $0x2800  }
0x8e: {  	[sflag:s26] =	ssyncset.done $0x0  }
0x8f: {  	[sflag:s26] =	ssyncadd.s32 $0xFFFFD800  }
0x90: {  	[spmem:s1] =	stream.indirect.scatter.add.f32 [tilespmem:s22], [sflag:$0x3], $0x80, s20, s21, $0xb8;
	[tilespmem:$0x18A80] =	vst v63  }
0x91: {  	_ =	swait.ge [sflag:s19], $0x2800  }
0x92: {  	[sflag:s19] =	ssyncset.done $0x0  }
0x93: {  	[sflag:s19] =	ssyncadd.s32 $0xFFFFD800  }
0x94: {  	s0 =	simm.s32 @p0 $0x1FC3;
	[bflag:$0x0] =	sbarrier.arrive $0xFFFF  }
0x95: {  	[hbm:s11], [sflag:s0] =	dma.local @p0 [spmem:s16], $0x2800  }
0x96: {  	s0 =	simm.s32 @p0 $0x3  }
0x97: {  	s29 =	sadd.s32 $0x1, s29;
	_ =	swait.ge @p0 [sflag:s0], $0x2800  }
0x98: {  	p1 =	sne.s32 s29, s12;
	[sflag:s0] =	ssyncset.done @p0 $0x0  }
.Ltmp1:
0x99: {  	[sflag:s0] =	ssyncadd.s32 @p0 $0xFFFFD800;
	s0 =	simm.s32 @!p0 $0x3;
	(pc) =	sbr.rel @p1 .LBB2_1-.Ltmp1, $4  }
0x9a: {  	[hbm:s10], [sflag:s17] =	dma.local @!p0 [spmem:s18], $0x2700  }
0x9b: {  	_ =	swait.ge @!p0 [sflag:s0], $0x2700  }
0x9c: {  	[sflag:s0] =	ssyncset.done @!p0 $0x0  }
0x9d: {  	[sflag:s0] =	ssyncadd.s32 @!p0 $0xFFFFD900  }
0x9e: {  	_ =	sfence.sel $0x180000  }
0x9f: {  	[bflag:$0x0] =	sbarrier.arrive $0xFFFF  }
0xa0: {  	_ =	strace $0x9000004D  }
0xa1: {  	s0 =	stileid.u32;
	[bflag:$0x2] =	sbarrier.arrive $0xFFFF  }
0xa2: {  	p0 =	sne.s32 s0, $0x0;
	s0 =	rddreg [dreg:$0x2]  }
0xa3: {  	s0 =	sadd.s32 @!p0 $0x100000, s0  }
0xa4: {  	[sflag:s0] =	ssyncadd.tile.s32 @!p0 $0x1;
	_ =	shalt  }
.Lfunc_end2:
_tile_overlayer_lowered:
.L_overlay_start_2:
0xa5: {  	(tag) =	ssettag $0x2  }
0xa6: {  	s0 =	rddreg [dreg:$0x0];
	s2 =	stileid.u32  }
0xa7: {  	s1 =	rddreg [dreg:$0x1];
	p0 =	sne.s32 s2, $0x0  }
0xa8: {  	s3 =	rddreg [dreg:$0x2];
	[bflag:$0x3] =	sbarrier.arrive $0xFFFF;
	s2 =	simm.s32 @!p0 $0x1C03  }
0xa9: {  	[timem:s3], [sflag:s2] =	dma.local @!p0 [hbm:s0], s1  }
0xaa: {  	s0 =	simm.s32 @!p0 $0x3  }
0xab: {  	_ =	swait.ge @!p0 [sflag:s0], s1  }
0xac: {  	s1 =	ssub.s32 @!p0 $0x0, s1;
	[sflag:s0] =	ssyncset.done @!p0 $0x0  }
0xad: {  	[sflag:s0] =	ssyncadd.s32 @!p0 s1  }
0xae: {  	[bflag:$0x3] =	sbarrier.arrive $0xFFFF  }
0xaf: {  	_ =	shalt  }

</sc_bundles>
